<compile_context>
chip_gen: v7x
topology: tpu7x:2x2x1
jax: 0.10.2.dev20260603
libtpu: 0.0.44.dev20260713+nightly
codegen_flags: <defaults>
</compile_context>

<pallas_src>
import functools

import jax
import jax.numpy as jnp
from jax import lax
from jax.experimental import pallas as pl
from jax.experimental.pallas import tpu as pltpu
from jax.experimental.pallas import tpu_sc as plsc

N = 10000
E = 320000
EMB = 128
EF2 = 258

NC = 2
NS = 16
NW = NC * NS
EPW = E // NW
C = 80
NCH = EPW // C
NP = 10240
ZR = NP // NS

_BE = 2000
_F32 = jnp.float32


def _edge_mlp_body(t_ref, q_ref, wq1_ref, wt1_ref, bc1_ref, v1_ref, b1_ref,
                   wq2_ref, wt2_ref, bc2_ref, v2_ref, b2_ref, o1_ref, o2_ref):
    q = q_ref[...]
    t = t_ref[...]
    rh1 = jnp.maximum(
        jnp.dot(q, wq1_ref[...], preferred_element_type=_F32)
        + t * wt1_ref[...] + bc1_ref[...], 0.0)
    o1_ref[...] = jnp.dot(rh1, v1_ref[...], preferred_element_type=_F32) + b1_ref[...]
    rh2 = jnp.maximum(
        jnp.dot(q, wq2_ref[...], preferred_element_type=_F32)
        + t * wt2_ref[...] + bc2_ref[...], 0.0)
    o2_ref[...] = jnp.dot(rh2, v2_ref[...], preferred_element_type=_F32) + b2_ref[...]


def _full2d(shape):
    return pl.BlockSpec(shape, lambda i: (0, 0))


_edge_mlp = pl.pallas_call(
    _edge_mlp_body,
    grid=(E // _BE,),
    in_specs=[
        pl.BlockSpec((_BE, 1), lambda i: (i, 0)),
        pl.BlockSpec((_BE, EMB), lambda i: (i, 0)),
        _full2d((EMB, EF2)), _full2d((1, EF2)), _full2d((1, EF2)),
        _full2d((EF2, EMB)), _full2d((1, EMB)),
        _full2d((EMB, EF2)), _full2d((1, EF2)), _full2d((1, EF2)),
        _full2d((EF2, EMB)), _full2d((1, EMB)),
    ],
    out_specs=[pl.BlockSpec((_BE, EMB), lambda i: (i, 0)),
               pl.BlockSpec((_BE, EMB), lambda i: (i, 0))],
    out_shape=[jax.ShapeDtypeStruct((E, EMB), _F32),
               jax.ShapeDtypeStruct((E, EMB), _F32)],
)


_sc_mesh = plsc.VectorSubcoreMesh(core_axis_name="c", subcore_axis_name="s")


@functools.partial(
    pl.kernel,
    out_type=jax.ShapeDtypeStruct((NC, NP, EMB), _F32),
    mesh=_sc_mesh,
    scratch_types=[
        pltpu.VMEM((C,), jnp.int32),
        pltpu.VMEM((C,), jnp.int32),
        pltpu.VMEM((C, EMB), _F32),
        pltpu.VMEM((C, EMB), _F32),
        pltpu.VMEM_SHARED((NP, EMB), _F32),
        pltpu.SemaphoreType.DMA,
    ],
)
def _sc_scatter(vals, table, src, dst, zeros, out, srci, dsti, vbuf, rbuf, acc, sem):
    c = lax.axis_index("c")
    s = lax.axis_index("s")
    pltpu.sync_copy(zeros.at[pl.ds(s * ZR, ZR)], acc.at[pl.ds(s * ZR, ZR)])
    plsc.subcore_barrier()
    base = (c * NS + s) * EPW

    def chunk(i, carry):
        off = base + i * C
        pltpu.sync_copy(src.at[pl.ds(off, C)], srci)
        pltpu.sync_copy(dst.at[pl.ds(off, C)], dsti)
        pltpu.sync_copy(vals.at[pl.ds(off, C)], vbuf)
        pltpu.async_copy(table.at[srci], rbuf, sem).wait()
        pltpu.sync_copy(vbuf, acc.at[dsti], add=True)
        pltpu.sync_copy(rbuf, acc.at[dsti], add=True)
        return carry

    lax.fori_loop(0, NCH, chunk, 0)
    plsc.subcore_barrier()
    pltpu.sync_copy(acc.at[pl.ds(s * ZR, ZR)], out.at[c, pl.ds(s * ZR, ZR)])


@functools.partial(
    pl.kernel,
    out_type=jax.ShapeDtypeStruct((E, EMB), _F32),
    mesh=_sc_mesh,
    scratch_types=[
        pltpu.VMEM((C,), jnp.int32),
        pltpu.VMEM((C,), jnp.int32),
        pltpu.VMEM((C, EMB), _F32),
        pltpu.VMEM((C, EMB), _F32),
        pltpu.SemaphoreType.DMA,
        pltpu.SemaphoreType.DMA,
    ],
)
def _sc_gather(asrc, adst, src, dst, out, srci, dsti, abuf, bbuf, sem_a, sem_b):
    c = lax.axis_index("c")
    s = lax.axis_index("s")
    base = (c * NS + s) * EPW

    def chunk(i, carry):
        off = base + i * C
        pltpu.sync_copy(src.at[pl.ds(off, C)], srci)
        pltpu.sync_copy(dst.at[pl.ds(off, C)], dsti)
        cp_a = pltpu.async_copy(asrc.at[srci], abuf, sem_a)
        cp_b = pltpu.async_copy(adst.at[dsti], bbuf, sem_b)
        cp_a.wait()
        cp_b.wait()

        def row(r, cc):
            for k in range(EMB // 16):
                sl = pl.ds(k * 16, 16)
                abuf[r, sl] = abuf[r, sl] + bbuf[r, sl]
            return cc

        lax.fori_loop(0, C, row, 0)
        pltpu.sync_copy(abuf, out.at[pl.ds(off, C)])
        return carry

    lax.fori_loop(0, NCH, chunk, 0)


def _node1_body(p_ref, w_ref, b_ref, o_ref):
    a = p_ref[0] + p_ref[1]
    o_ref[...] = jnp.maximum(
        jnp.dot(a, w_ref[...], preferred_element_type=_F32) + b_ref[...], 0.0)


_node1 = pl.pallas_call(
    _node1_body,
    out_shape=jax.ShapeDtypeStruct((NP, EMB), _F32),
)


def _node2_body(p_ref, w_ref, b_ref, wa_ref, wb_ref, pb_ref, oas_ref, oad_ref):
    a = p_ref[0] + p_ref[1]
    h2 = jnp.maximum(
        jnp.dot(a, w_ref[...], preferred_element_type=_F32) + b_ref[...], 0.0)
    oas_ref[...] = jnp.dot(h2, wa_ref[...], preferred_element_type=_F32)
    oad_ref[...] = jnp.dot(h2, wb_ref[...], preferred_element_type=_F32) + pb_ref[...]


_node2 = pl.pallas_call(
    _node2_body,
    out_shape=[jax.ShapeDtypeStruct((NP, EMB), _F32),
               jax.ShapeDtypeStruct((NP, EMB), _F32)],
)


def _pred_body(g_ref, q_ref, wc_ref, w2_ref, b2_ref, o_ref):
    p = jnp.maximum(
        g_ref[...] + jnp.dot(q_ref[...], wc_ref[...], preferred_element_type=_F32),
        0.0)
    z = jnp.sum(p * w2_ref[...], axis=1, keepdims=True) + b2_ref[...]
    o_ref[...] = jax.nn.sigmoid(z)


_pred = pl.pallas_call(
    _pred_body,
    grid=(E // _BE,),
    in_specs=[
        pl.BlockSpec((_BE, EMB), lambda i: (i, 0)),
        pl.BlockSpec((_BE, EMB), lambda i: (i, 0)),
        _full2d((EMB, EMB)), _full2d((1, EMB)), _full2d((1, 1)),
    ],
    out_specs=pl.BlockSpec((_BE, 1), lambda i: (i, 0)),
    out_shape=jax.ShapeDtypeStruct((E, 1), _F32),
)


def kernel(x, edge_index, edge_trust_score, edge_query_embedding,
           lw1, lb1, e1w1, e1b1, e1w2, e1b2,
           lw2, lb2, e2w1, e2b1, e2w2, e2b2,
           pw1, pb1, pw2, pb2):
    src = edge_index[0].astype(jnp.int32)
    dst = edge_index[1].astype(jnp.int32)
    t = edge_trust_score
    q = edge_query_embedding

    et1, et2 = _edge_mlp(
        t, q,
        e1w1[:, 1:].T, e1w1[:, :1].T, e1b1[None], e1w2.T, e1b2[None],
        e2w1[:, 1:].T, e2w1[:, :1].T, e2b1[None], e2w2.T, e2b2[None],
    )

    zeros = jnp.zeros((NP, EMB), _F32)
    p1 = _sc_scatter(et1, x, src, dst, zeros)
    h1 = _node1(p1, lw1.T, lb1[None])
    p2 = _sc_scatter(et2, h1, src, dst, zeros)
    asrc, adst = _node2(p2, lw2.T, lb2[None],
                        pw1[:, :EMB].T, pw1[:, EMB:2 * EMB].T, pb1[None])
    gsum = _sc_gather(asrc, adst, src, dst)
    out = _pred(gsum, q, pw1[:, 2 * EMB:].T, pw2, pb2[None])
    return out

# --- scband reference (transcript-rebuilt; emitter-appended) ---
"""Pipeline reference for scband-trust-gnn-55422257987980 (READ-ONLY COPY).

The authoritative reference and input builder live on the scoring server;
editing this copy changes nothing except your own understanding.
"""

import jax, jax.numpy as jnp
import numpy as np

N = 10000
E = 320000
EMB = 128
HID = 128
OUT = 128
EF = 1 + EMB


def _lin(x, w, b):
    return x @ w.T + b


def _layer(x, edge_attr, src, dst, lw, lb, ew1, eb1, ew2, eb2):
    # message: x_j + edge_mlp(edge_attr); dropout is identity in eval mode
    et = _lin(jax.nn.relu(_lin(edge_attr, ew1, eb1)), ew2, eb2)
    msg = x[src] + et
    # aggr='add'
    aggr = jax.ops.segment_sum(msg, dst, num_segments=N)
    # update: relu(node_lin(aggr))
    return jax.nn.relu(_lin(aggr, lw, lb))


def setup_inputs(seed: int = 0) -> dict:
    key = jax.random.key(seed)
    ks = jax.random.split(key, 24)
    s = 0.05
    inp = {}
    inp['x'] = jax.random.normal(ks[0], (N, EMB), dtype=jnp.float32)
    inp['edge_index'] = jax.random.randint(ks[1], (2, E), 0, N)
    inp['edge_trust_score'] = jax.random.uniform(ks[2], (E, 1), dtype=jnp.float32)
    inp['edge_query_embedding'] = jax.random.normal(ks[3], (E, EMB), dtype=jnp.float32)
    # conv1 params
    inp['lw1'] = jax.random.normal(ks[4], (HID, EMB), dtype=jnp.float32) * s
    inp['lb1'] = jnp.zeros((HID,), dtype=jnp.float32)
    inp['e1w1'] = jax.random.normal(ks[5], (EF * 2, EF), dtype=jnp.float32) * s
    inp['e1b1'] = jnp.zeros((EF * 2,), dtype=jnp.float32)
    inp['e1w2'] = jax.random.normal(ks[6], (EMB, EF * 2), dtype=jnp.float32) * s
    inp['e1b2'] = jnp.zeros((EMB,), dtype=jnp.float32)
    # conv2 params
    inp['lw2'] = jax.random.normal(ks[7], (OUT, HID), dtype=jnp.float32) * s
    inp['lb2'] = jnp.zeros((OUT,), dtype=jnp.float32)
    inp['e2w1'] = jax.random.normal(ks[8], (EF * 2, EF), dtype=jnp.float32) * s
    inp['e2b1'] = jnp.zeros((EF * 2,), dtype=jnp.float32)
    inp['e2w2'] = jax.random.normal(ks[9], (HID, EF * 2), dtype=jnp.float32) * s
    inp['e2b2'] = jnp.zeros((HID,), dtype=jnp.float32)
    # predictor params (in_dim = OUT*2 + EMB)
    inp['pw1'] = jax.random.normal(ks[10], (HID, OUT * 2 + EMB), dtype=jnp.float32) * s
    inp['pb1'] = jnp.zeros((HID,), dtype=jnp.float32)
    inp['pw2'] = jax.random.normal(ks[11], (1, HID), dtype=jnp.float32) * s
    inp['pb2'] = jnp.full((1,), 0.5, dtype=jnp.float32)
    return inp


def reference(x, edge_index, edge_trust_score, edge_query_embedding,
              lw1, lb1, e1w1, e1b1, e1w2, e1b2,
              lw2, lb2, e2w1, e2b1, e2w2, e2b2,
              pw1, pb1, pw2, pb2):
    src = edge_index[0]
    dst = edge_index[1]
    edge_attr = jnp.concatenate([edge_trust_score, edge_query_embedding], axis=1)
    h = _layer(x, edge_attr, src, dst, lw1, lb1, e1w1, e1b1, e1w2, e1b2)
    h = _layer(h, edge_attr, src, dst, lw2, lb2, e2w1, e2b1, e2w2, e2b2)
    source_node_emb = h[src]
    target_node_emb = h[dst]
    predictor_input = jnp.concatenate([source_node_emb, target_node_emb, edge_query_embedding], axis=-1)
    p = jax.nn.relu(_lin(predictor_input, pw1, pb1))
    trust_predictions = jax.nn.sigmoid(_lin(p, pw2, pb2))
    return trust_predictions

if __name__ == "__main__":
    import jax
    _d = setup_inputs()
    print(jax.jit(kernel)(*tuple(_d.values())))

</pallas_src>

<mosaic_0001>
#map = affine_map<(d0, d1) -> (0, 0)>
#map1 = affine_map<(d0, d1) -> (0)>
module attributes {stable_mosaic.version = 14 : i64} {
  func.func @_sc_gather(%arg0: i32, %arg1: i32, %arg2: memref<10240x128xf32, #tpu.memory_space<hbm>>, %arg3: memref<10240x128xf32, #tpu.memory_space<hbm>>, %arg4: memref<320000xi32, #tpu.memory_space<hbm>>, %arg5: memref<320000xi32, #tpu.memory_space<hbm>>, %arg6: memref<320000x128xf32, #tpu.memory_space<hbm>>, %arg7: memref<80xi32, #tpu.memory_space<vmem>>, %arg8: memref<80xi32, #tpu.memory_space<vmem>>, %arg9: memref<80x128xf32, #tpu.memory_space<vmem>>, %arg10: memref<80x128xf32, #tpu.memory_space<vmem>>, %arg11: memref<!tpu.dma_semaphore, #tpu.memory_space<semaphore_mem>>, %arg12: memref<!tpu.dma_semaphore, #tpu.memory_space<semaphore_mem>>) attributes {dimension_semantics = [#tpu.dimension_semantics<core_parallel>, #tpu.dimension_semantics<subcore_parallel>], iteration_bounds = array<i64: 2, 16>, scalar_prefetch = 0 : i64, scratch_operands = 6 : i64, tpu.core_type = #tpu.core_type<sc_vector_subcore>, window_params = [{transform_indices = #map}, {transform_indices = #map}, {transform_indices = #map1}, {transform_indices = #map1}, {transform_indices = #map}]} {
    %mul3A = arith.constant 16 : i32
    %mul3A_0 = arith.muli %arg0, %mul3A : i32
    %add3A = arith.addi %mul3A_0, %arg1 : i32
    %mul3A_1 = arith.constant 10000 : i32
    %mul3A_2 = arith.muli %add3A, %mul3A_1 : i32
    %scan3A = arith.constant 0 : i32
    %scan3A_3 = arith.constant 0 : i32
    %scan3A_4 = arith.constant 125 : i32
    %scan3A_5 = arith.addi %scan3A_3, %scan3A_4 : i32
    %scan3A_6 = arith.constant 1 : i32
    scf.for %scan3A_8 = %scan3A_3 to %scan3A_5 step %scan3A_6  : i32 {
      %mul3A_9 = arith.constant 80 : i32
      %mul3A_10 = arith.muli %scan3A_8, %mul3A_9 : i32
      %add3A_11 = arith.addi %mul3A_2, %mul3A_10 : i32
      "tpu.region"() ({
        %run_scoped3A = tpu.sem_alloc : memref<!tpu.dma_semaphore, #tpu.memory_space<semaphore_mem>>
        %dma_start3A_28 = tpu.memref_slice %arg4[%add3A_11] : memref<320000xi32, #tpu.memory_space<hbm>> -> memref<80xi32, #tpu.memory_space<hbm>>
        %dma_start3A_29 = tpu.memref_slice %arg4[%add3A_11] : memref<320000xi32, #tpu.memory_space<hbm>> -> memref<80xi32, #tpu.memory_space<hbm>>
        tpu.enqueue_dma source(%dma_start3A_29 : memref<80xi32, #tpu.memory_space<hbm>>) target(%arg7 : memref<80xi32, #tpu.memory_space<vmem>>) target_semaphore(%run_scoped3A : memref<!tpu.dma_semaphore, #tpu.memory_space<semaphore_mem>>)
        %dma_wait3A_30 = tpu.memref_slice %arg4[%add3A_11] : memref<320000xi32, #tpu.memory_space<hbm>> -> memref<80xi32, #tpu.memory_space<hbm>>
        %dma_wait3A_31 = tpu.memref_slice %arg4[%add3A_11] : memref<320000xi32, #tpu.memory_space<hbm>> -> memref<80xi32, #tpu.memory_space<hbm>>
        tpu.wait_dma2 semaphore(%run_scoped3A : memref<!tpu.dma_semaphore, #tpu.memory_space<semaphore_mem>>) src(%dma_wait3A_31 : memref<80xi32, #tpu.memory_space<hbm>>) dst(%arg7 : memref<80xi32, #tpu.memory_space<vmem>>)
        tpu.yield
      }) : () -> ()
      "tpu.region"() ({
        %run_scoped3A = tpu.sem_alloc : memref<!tpu.dma_semaphore, #tpu.memory_space<semaphore_mem>>
        %dma_start3A_28 = tpu.memref_slice %arg5[%add3A_11] : memref<320000xi32, #tpu.memory_space<hbm>> -> memref<80xi32, #tpu.memory_space<hbm>>
        %dma_start3A_29 = tpu.memref_slice %arg5[%add3A_11] : memref<320000xi32, #tpu.memory_space<hbm>> -> memref<80xi32, #tpu.memory_space<hbm>>
        tpu.enqueue_dma source(%dma_start3A_29 : memref<80xi32, #tpu.memory_space<hbm>>) target(%arg8 : memref<80xi32, #tpu.memory_space<vmem>>) target_semaphore(%run_scoped3A : memref<!tpu.dma_semaphore, #tpu.memory_space<semaphore_mem>>)
        %dma_wait3A_30 = tpu.memref_slice %arg5[%add3A_11] : memref<320000xi32, #tpu.memory_space<hbm>> -> memref<80xi32, #tpu.memory_space<hbm>>
        %dma_wait3A_31 = tpu.memref_slice %arg5[%add3A_11] : memref<320000xi32, #tpu.memory_space<hbm>> -> memref<80xi32, #tpu.memory_space<hbm>>
        tpu.wait_dma2 semaphore(%run_scoped3A : memref<!tpu.dma_semaphore, #tpu.memory_space<semaphore_mem>>) src(%dma_wait3A_31 : memref<80xi32, #tpu.memory_space<hbm>>) dst(%arg8 : memref<80xi32, #tpu.memory_space<vmem>>)
        tpu.yield
      }) : () -> ()
      %dma_start3A = arith.constant 0 : i32
      %dma_start3A_12 = arith.constant 0 : i32
      %dma_start3A_13 = tpu.memref_slice %arg2[%dma_start3A, %dma_start3A_12] : memref<10240x128xf32, #tpu.memory_space<hbm>> -> memref<10240x128xf32, #tpu.memory_space<hbm>>
      tpu.enqueue_indirect_dma source(%dma_start3A_13 : memref<10240x128xf32, #tpu.memory_space<hbm>>) target(%arg9 : memref<80x128xf32, #tpu.memory_space<vmem>>) offsets(%arg7 : memref<80xi32, #tpu.memory_space<vmem>>) semaphore(%arg11 : memref<!tpu.dma_semaphore, #tpu.memory_space<semaphore_mem>>)
      %dma_start3A_14 = arith.constant 0 : i32
      %dma_start3A_15 = arith.constant 0 : i32
      %dma_start3A_16 = tpu.memref_slice %arg3[%dma_start3A_14, %dma_start3A_15] : memref<10240x128xf32, #tpu.memory_space<hbm>> -> memref<10240x128xf32, #tpu.memory_space<hbm>>
      tpu.enqueue_indirect_dma source(%dma_start3A_16 : memref<10240x128xf32, #tpu.memory_space<hbm>>) target(%arg10 : memref<80x128xf32, #tpu.memory_space<vmem>>) offsets(%arg8 : memref<80xi32, #tpu.memory_space<vmem>>) semaphore(%arg12 : memref<!tpu.dma_semaphore, #tpu.memory_space<semaphore_mem>>)
      %dma_wait3A = arith.constant 0 : i32
      %dma_wait3A_17 = arith.constant 0 : i32
      %dma_wait3A_18 = tpu.memref_slice %arg2[%dma_wait3A, %dma_wait3A_17] : memref<10240x128xf32, #tpu.memory_space<hbm>> -> memref<10240x128xf32, #tpu.memory_space<hbm>>
      tpu.wait_indirect_dma semaphore(%arg11 : memref<!tpu.dma_semaphore, #tpu.memory_space<semaphore_mem>>) src(%dma_wait3A_18 : memref<10240x128xf32, #tpu.memory_space<hbm>>) dst(%arg9 : memref<80x128xf32, #tpu.memory_space<vmem>>)
      %dma_wait3A_19 = arith.constant 0 : i32
      %dma_wait3A_20 = arith.constant 0 : i32
      %dma_wait3A_21 = tpu.memref_slice %arg3[%dma_wait3A_19, %dma_wait3A_20] : memref<10240x128xf32, #tpu.memory_space<hbm>> -> memref<10240x128xf32, #tpu.memory_space<hbm>>
      tpu.wait_indirect_dma semaphore(%arg12 : memref<!tpu.dma_semaphore, #tpu.memory_space<semaphore_mem>>) src(%dma_wait3A_21 : memref<10240x128xf32, #tpu.memory_space<hbm>>) dst(%arg10 : memref<80x128xf32, #tpu.memory_space<vmem>>)
      %scan3A_22 = arith.constant 0 : i32
      %scan3A_23 = arith.constant 0 : i32
      %scan3A_24 = arith.constant 80 : i32
      %scan3A_25 = arith.addi %scan3A_23, %scan3A_24 : i32
      %scan3A_26 = arith.constant 1 : i32
      scf.for %scan3A_28 = %scan3A_23 to %scan3A_25 step %scan3A_26  : i32 {
        %get3A = arith.index_cast %scan3A_28 : i32 to index
        %get3A_29 = arith.constant 0 : index
        %get3A_30 = tpu.vector_load %arg9[%get3A, %get3A_29] {strides = array<i32>} : memref<80x128xf32, #tpu.memory_space<vmem>>, vector<1x16xf32>,
        %get3A_31 = vector.shape_cast %get3A_30 : vector<1x16xf32> to vector<16xf32>
        %get3A_32 = arith.index_cast %scan3A_28 : i32 to index
        %get3A_33 = arith.constant 0 : index
        %get3A_34 = tpu.vector_load %arg10[%get3A_32, %get3A_33] {strides = array<i32>} : memref<80x128xf32, #tpu.memory_space<vmem>>, vector<1x16xf32>,
        %get3A_35 = vector.shape_cast %get3A_34 : vector<1x16xf32> to vector<16xf32>
        %add3A_36 = arith.addf %get3A_31, %get3A_35 : vector<16xf32>
        %swap3A = arith.index_cast %scan3A_28 : i32 to index
        %swap3A_37 = arith.constant 0 : index
        %swap3A_38 = tpu.vector_load %arg9[%swap3A, %swap3A_37] {strides = array<i32>} : memref<80x128xf32, #tpu.memory_space<vmem>>, vector<1x16xf32>,
        %swap3A_39 = vector.shape_cast %swap3A_38 : vector<1x16xf32> to vector<16xf32>
        %swap3A_40 = vector.shape_cast %add3A_36 : vector<16xf32> to vector<1x16xf32>
        tpu.vector_store %arg9[%swap3A, %swap3A_37], %swap3A_40 {strides = array<i32>} : memref<80x128xf32, #tpu.memory_space<vmem>>, vector<1x16xf32>,
        %get3A_41 = arith.index_cast %scan3A_28 : i32 to index
        %get3A_42 = arith.constant 16 : index
        %get3A_43 = tpu.vector_load %arg9[%get3A_41, %get3A_42] {strides = array<i32>} : memref<80x128xf32, #tpu.memory_space<vmem>>, vector<1x16xf32>,
        %get3A_44 = vector.shape_cast %get3A_43 : vector<1x16xf32> to vector<16xf32>
        %get3A_45 = arith.index_cast %scan3A_28 : i32 to index
        %get3A_46 = arith.constant 16 : index
        %get3A_47 = tpu.vector_load %arg10[%get3A_45, %get3A_46] {strides = array<i32>} : memref<80x128xf32, #tpu.memory_space<vmem>>, vector<1x16xf32>,
        %get3A_48 = vector.shape_cast %get3A_47 : vector<1x16xf32> to vector<16xf32>
        %add3A_49 = arith.addf %get3A_44, %get3A_48 : vector<16xf32>
        %swap3A_50 = arith.index_cast %scan3A_28 : i32 to index
        %swap3A_51 = arith.constant 16 : index
        %swap3A_52 = tpu.vector_load %arg9[%swap3A_50, %swap3A_51] {strides = array<i32>} : memref<80x128xf32, #tpu.memory_space<vmem>>, vector<1x16xf32>,
        %swap3A_53 = vector.shape_cast %swap3A_52 : vector<1x16xf32> to vector<16xf32>
        %swap3A_54 = vector.shape_cast %add3A_49 : vector<16xf32> to vector<1x16xf32>
        tpu.vector_store %arg9[%swap3A_50, %swap3A_51], %swap3A_54 {strides = array<i32>} : memref<80x128xf32, #tpu.memory_space<vmem>>, vector<1x16xf32>,
        %get3A_55 = arith.index_cast %scan3A_28 : i32 to index
        %get3A_56 = arith.constant 32 : index
        %get3A_57 = tpu.vector_load %arg9[%get3A_55, %get3A_56] {strides = array<i32>} : memref<80x128xf32, #tpu.memory_space<vmem>>, vector<1x16xf32>,
        %get3A_58 = vector.shape_cast %get3A_57 : vector<1x16xf32> to vector<16xf32>
        %get3A_59 = arith.index_cast %scan3A_28 : i32 to index
        %get3A_60 = arith.constant 32 : index
        %get3A_61 = tpu.vector_load %arg10[%get3A_59, %get3A_60] {strides = array<i32>} : memref<80x128xf32, #tpu.memory_space<vmem>>, vector<1x16xf32>,
        %get3A_62 = vector.shape_cast %get3A_61 : vector<1x16xf32> to vector<16xf32>
        %add3A_63 = arith.addf %get3A_58, %get3A_62 : vector<16xf32>
        %swap3A_64 = arith.index_cast %scan3A_28 : i32 to index
        %swap3A_65 = arith.constant 32 : index
        %swap3A_66 = tpu.vector_load %arg9[%swap3A_64, %swap3A_65] {strides = array<i32>} : memref<80x128xf32, #tpu.memory_space<vmem>>, vector<1x16xf32>,
        %swap3A_67 = vector.shape_cast %swap3A_66 : vector<1x16xf32> to vector<16xf32>
        %swap3A_68 = vector.shape_cast %add3A_63 : vector<16xf32> to vector<1x16xf32>
        tpu.vector_store %arg9[%swap3A_64, %swap3A_65], %swap3A_68 {strides = array<i32>} : memref<80x128xf32, #tpu.memory_space<vmem>>, vector<1x16xf32>,
        %get3A_69 = arith.index_cast %scan3A_28 : i32 to index
        %get3A_70 = arith.constant 48 : index
        %get3A_71 = tpu.vector_load %arg9[%get3A_69, %get3A_70] {strides = array<i32>} : memref<80x128xf32, #tpu.memory_space<vmem>>, vector<1x16xf32>,
        %get3A_72 = vector.shape_cast %get3A_71 : vector<1x16xf32> to vector<16xf32>
        %get3A_73 = arith.index_cast %scan3A_28 : i32 to index
        %get3A_74 = arith.constant 48 : index
        %get3A_75 = tpu.vector_load %arg10[%get3A_73, %get3A_74] {strides = array<i32>} : memref<80x128xf32, #tpu.memory_space<vmem>>, vector<1x16xf32>,
        %get3A_76 = vector.shape_cast %get3A_75 : vector<1x16xf32> to vector<16xf32>
        %add3A_77 = arith.addf %get3A_72, %get3A_76 : vector<16xf32>
        %swap3A_78 = arith.index_cast %scan3A_28 : i32 to index
        %swap3A_79 = arith.constant 48 : index
        %swap3A_80 = tpu.vector_load %arg9[%swap3A_78, %swap3A_79] {strides = array<i32>} : memref<80x128xf32, #tpu.memory_space<vmem>>, vector<1x16xf32>,
        %swap3A_81 = vector.shape_cast %swap3A_80 : vector<1x16xf32> to vector<16xf32>
        %swap3A_82 = vector.shape_cast %add3A_77 : vector<16xf32> to vector<1x16xf32>
        tpu.vector_store %arg9[%swap3A_78, %swap3A_79], %swap3A_82 {strides = array<i32>} : memref<80x128xf32, #tpu.memory_space<vmem>>, vector<1x16xf32>,
        %get3A_83 = arith.index_cast %scan3A_28 : i32 to index
        %get3A_84 = arith.constant 64 : index
        %get3A_85 = tpu.vector_load %arg9[%get3A_83, %get3A_84] {strides = array<i32>} : memref<80x128xf32, #tpu.memory_space<vmem>>, vector<1x16xf32>,
        %get3A_86 = vector.shape_cast %get3A_85 : vector<1x16xf32> to vector<16xf32>
        %get3A_87 = arith.index_cast %scan3A_28 : i32 to index
        %get3A_88 = arith.constant 64 : index
        %get3A_89 = tpu.vector_load %arg10[%get3A_87, %get3A_88] {strides = array<i32>} : memref<80x128xf32, #tpu.memory_space<vmem>>, vector<1x16xf32>,
        %get3A_90 = vector.shape_cast %get3A_89 : vector<1x16xf32> to vector<16xf32>
        %add3A_91 = arith.addf %get3A_86, %get3A_90 : vector<16xf32>
        %swap3A_92 = arith.index_cast %scan3A_28 : i32 to index
        %swap3A_93 = arith.constant 64 : index
        %swap3A_94 = tpu.vector_load %arg9[%swap3A_92, %swap3A_93] {strides = array<i32>} : memref<80x128xf32, #tpu.memory_space<vmem>>, vector<1x16xf32>,
        %swap3A_95 = vector.shape_cast %swap3A_94 : vector<1x16xf32> to vector<16xf32>
        %swap3A_96 = vector.shape_cast %add3A_91 : vector<16xf32> to vector<1x16xf32>
        tpu.vector_store %arg9[%swap3A_92, %swap3A_93], %swap3A_96 {strides = array<i32>} : memref<80x128xf32, #tpu.memory_space<vmem>>, vector<1x16xf32>,
        %get3A_97 = arith.index_cast %scan3A_28 : i32 to index
        %get3A_98 = arith.constant 80 : index
        %get3A_99 = tpu.vector_load %arg9[%get3A_97, %get3A_98] {strides = array<i32>} : memref<80x128xf32, #tpu.memory_space<vmem>>, vector<1x16xf32>,
        %get3A_100 = vector.shape_cast %get3A_99 : vector<1x16xf32> to vector<16xf32>
        %get3A_101 = arith.index_cast %scan3A_28 : i32 to index
        %get3A_102 = arith.constant 80 : index
        %get3A_103 = tpu.vector_load %arg10[%get3A_101, %get3A_102] {strides = array<i32>} : memref<80x128xf32, #tpu.memory_space<vmem>>, vector<1x16xf32>,
        %get3A_104 = vector.shape_cast %get3A_103 : vector<1x16xf32> to vector<16xf32>
        %add3A_105 = arith.addf %get3A_100, %get3A_104 : vector<16xf32>
        %swap3A_106 = arith.index_cast %scan3A_28 : i32 to index
        %swap3A_107 = arith.constant 80 : index
        %swap3A_108 = tpu.vector_load %arg9[%swap3A_106, %swap3A_107] {strides = array<i32>} : memref<80x128xf32, #tpu.memory_space<vmem>>, vector<1x16xf32>,
        %swap3A_109 = vector.shape_cast %swap3A_108 : vector<1x16xf32> to vector<16xf32>
        %swap3A_110 = vector.shape_cast %add3A_105 : vector<16xf32> to vector<1x16xf32>
        tpu.vector_store %arg9[%swap3A_106, %swap3A_107], %swap3A_110 {strides = array<i32>} : memref<80x128xf32, #tpu.memory_space<vmem>>, vector<1x16xf32>,
        %get3A_111 = arith.index_cast %scan3A_28 : i32 to index
        %get3A_112 = arith.constant 96 : index
        %get3A_113 = tpu.vector_load %arg9[%get3A_111, %get3A_112] {strides = array<i32>} : memref<80x128xf32, #tpu.memory_space<vmem>>, vector<1x16xf32>,
        %get3A_114 = vector.shape_cast %get3A_113 : vector<1x16xf32> to vector<16xf32>
        %get3A_115 = arith.index_cast %scan3A_28 : i32 to index
        %get3A_116 = arith.constant 96 : index
        %get3A_117 = tpu.vector_load %arg10[%get3A_115, %get3A_116] {strides = array<i32>} : memref<80x128xf32, #tpu.memory_space<vmem>>, vector<1x16xf32>,
        %get3A_118 = vector.shape_cast %get3A_117 : vector<1x16xf32> to vector<16xf32>
        %add3A_119 = arith.addf %get3A_114, %get3A_118 : vector<16xf32>
        %swap3A_120 = arith.index_cast %scan3A_28 : i32 to index
        %swap3A_121 = arith.constant 96 : index
        %swap3A_122 = tpu.vector_load %arg9[%swap3A_120, %swap3A_121] {strides = array<i32>} : memref<80x128xf32, #tpu.memory_space<vmem>>, vector<1x16xf32>,
        %swap3A_123 = vector.shape_cast %swap3A_122 : vector<1x16xf32> to vector<16xf32>
        %swap3A_124 = vector.shape_cast %add3A_119 : vector<16xf32> to vector<1x16xf32>
        tpu.vector_store %arg9[%swap3A_120, %swap3A_121], %swap3A_124 {strides = array<i32>} : memref<80x128xf32, #tpu.memory_space<vmem>>, vector<1x16xf32>,
        %get3A_125 = arith.index_cast %scan3A_28 : i32 to index
        %get3A_126 = arith.constant 112 : index
        %get3A_127 = tpu.vector_load %arg9[%get3A_125, %get3A_126] {strides = array<i32>} : memref<80x128xf32, #tpu.memory_space<vmem>>, vector<1x16xf32>,
        %get3A_128 = vector.shape_cast %get3A_127 : vector<1x16xf32> to vector<16xf32>
        %get3A_129 = arith.index_cast %scan3A_28 : i32 to index
        %get3A_130 = arith.constant 112 : index
        %get3A_131 = tpu.vector_load %arg10[%get3A_129, %get3A_130] {strides = array<i32>} : memref<80x128xf32, #tpu.memory_space<vmem>>, vector<1x16xf32>,
        %get3A_132 = vector.shape_cast %get3A_131 : vector<1x16xf32> to vector<16xf32>
        %add3A_133 = arith.addf %get3A_128, %get3A_132 : vector<16xf32>
        %swap3A_134 = arith.index_cast %scan3A_28 : i32 to index
        %swap3A_135 = arith.constant 112 : index
        %swap3A_136 = tpu.vector_load %arg9[%swap3A_134, %swap3A_135] {strides = array<i32>} : memref<80x128xf32, #tpu.memory_space<vmem>>, vector<1x16xf32>,
        %swap3A_137 = vector.shape_cast %swap3A_136 : vector<1x16xf32> to vector<16xf32>
        %swap3A_138 = vector.shape_cast %add3A_133 : vector<16xf32> to vector<1x16xf32>
        tpu.vector_store %arg9[%swap3A_134, %swap3A_135], %swap3A_138 {strides = array<i32>} : memref<80x128xf32, #tpu.memory_space<vmem>>, vector<1x16xf32>,
      }
      %scan3A_27 = arith.constant 80 : i32
      "tpu.region"() ({
        %run_scoped3A = tpu.sem_alloc : memref<!tpu.dma_semaphore, #tpu.memory_space<semaphore_mem>>
        %dma_start3A_28 = arith.constant 0 : i32
        %dma_start3A_29 = tpu.memref_slice %arg6[%add3A_11, %dma_start3A_28] : memref<320000x128xf32, #tpu.memory_space<hbm>> -> memref<80x128xf32, #tpu.memory_space<hbm>>
        %dma_start3A_30 = arith.constant 0 : i32
        %dma_start3A_31 = tpu.memref_slice %arg6[%add3A_11, %dma_start3A_30] : memref<320000x128xf32, #tpu.memory_space<hbm>> -> memref<80x128xf32, #tpu.memory_space<hbm>>
        tpu.enqueue_dma source(%arg9 : memref<80x128xf32, #tpu.memory_space<vmem>>) target(%dma_start3A_31 : memref<80x128xf32, #tpu.memory_space<hbm>>) target_semaphore(%run_scoped3A : memref<!tpu.dma_semaphore, #tpu.memory_space<semaphore_mem>>)
        %dma_wait3A_32 = arith.constant 0 : i32
        %dma_wait3A_33 = tpu.memref_slice %arg6[%add3A_11, %dma_wait3A_32] : memref<320000x128xf32, #tpu.memory_space<hbm>> -> memref<80x128xf32, #tpu.memory_space<hbm>>
        %dma_wait3A_34 = arith.constant 0 : i32
        %dma_wait3A_35 = tpu.memref_slice %arg6[%add3A_11, %dma_wait3A_34] : memref<320000x128xf32, #tpu.memory_space<hbm>> -> memref<80x128xf32, #tpu.memory_space<hbm>>
        tpu.wait_dma2 semaphore(%run_scoped3A : memref<!tpu.dma_semaphore, #tpu.memory_space<semaphore_mem>>) src(%arg9 : memref<80x128xf32, #tpu.memory_space<vmem>>) dst(%dma_wait3A_35 : memref<80x128xf32, #tpu.memory_space<hbm>>)
        tpu.yield
      }) : () -> ()
    }
    %scan3A_7 = arith.constant 125 : i32
    return
  }
}

#map = affine_map<(d0, d1) -> (0, 0)>
#map1 = affine_map<(d0, d1) -> (0)>
#map2 = affine_map<(d0, d1) -> (0, 0, 0)>
module attributes {stable_mosaic.version = 14 : i64} {
  func.func @_sc_scatter(%arg0: i32, %arg1: i32, %arg2: memref<320000x128xf32, #tpu.memory_space<hbm>>, %arg3: memref<10000x128xf32, #tpu.memory_space<hbm>>, %arg4: memref<320000xi32, #tpu.memory_space<hbm>>, %arg5: memref<320000xi32, #tpu.memory_space<hbm>>, %arg6: memref<10240x128xf32, #tpu.memory_space<hbm>>, %arg7: memref<2x10240x128xf32, #tpu.memory_space<hbm>>, %arg8: memref<80xi32, #tpu.memory_space<vmem>>, %arg9: memref<80xi32, #tpu.memory_space<vmem>>, %arg10: memref<80x128xf32, #tpu.memory_space<vmem>>, %arg11: memref<80x128xf32, #tpu.memory_space<vmem>>, %arg12: memref<10240x128xf32, #tpu.memory_space<vmem_shared>>, %arg13: memref<!tpu.dma_semaphore, #tpu.memory_space<semaphore_mem>>) attributes {dimension_semantics = [#tpu.dimension_semantics<core_parallel>, #tpu.dimension_semantics<subcore_parallel>], iteration_bounds = array<i64: 2, 16>, scalar_prefetch = 0 : i64, scratch_operands = 6 : i64, tpu.core_type = #tpu.core_type<sc_vector_subcore>, window_params = [{transform_indices = #map}, {transform_indices = #map}, {transform_indices = #map1}, {transform_indices = #map1}, {transform_indices = #map}, {transform_indices = #map2}]} {
    %mul3A = arith.constant 640 : i32
    %mul3A_0 = arith.muli %arg1, %mul3A : i32
    %mul3A_1 = arith.constant 640 : i32
    %mul3A_2 = arith.muli %arg1, %mul3A_1 : i32
    "tpu.region"() ({
      %run_scoped3A = tpu.sem_alloc : memref<!tpu.dma_semaphore, #tpu.memory_space<semaphore_mem>>
      %dma_start3A = arith.constant 0 : i32
      %dma_start3A_17 = tpu.memref_slice %arg12[%mul3A_2, %dma_start3A] : memref<10240x128xf32, #tpu.memory_space<vmem_shared>> -> memref<640x128xf32, #tpu.memory_space<vmem_shared>>
      %dma_start3A_18 = arith.constant 0 : i32
      %dma_start3A_19 = tpu.memref_slice %arg6[%mul3A_0, %dma_start3A_18] : memref<10240x128xf32, #tpu.memory_space<hbm>> -> memref<640x128xf32, #tpu.memory_space<hbm>>
      tpu.enqueue_dma source(%dma_start3A_19 : memref<640x128xf32, #tpu.memory_space<hbm>>) target(%dma_start3A_17 : memref<640x128xf32, #tpu.memory_space<vmem_shared>>) target_semaphore(%run_scoped3A : memref<!tpu.dma_semaphore, #tpu.memory_space<semaphore_mem>>)
      %dma_wait3A = arith.constant 0 : i32
      %dma_wait3A_20 = tpu.memref_slice %arg12[%mul3A_2, %dma_wait3A] : memref<10240x128xf32, #tpu.memory_space<vmem_shared>> -> memref<640x128xf32, #tpu.memory_space<vmem_shared>>
      %dma_wait3A_21 = arith.constant 0 : i32
      %dma_wait3A_22 = tpu.memref_slice %arg6[%mul3A_0, %dma_wait3A_21] : memref<10240x128xf32, #tpu.memory_space<hbm>> -> memref<640x128xf32, #tpu.memory_space<hbm>>
      tpu.wait_dma2 semaphore(%run_scoped3A : memref<!tpu.dma_semaphore, #tpu.memory_space<semaphore_mem>>) src(%dma_wait3A_22 : memref<640x128xf32, #tpu.memory_space<hbm>>) dst(%dma_wait3A_20 : memref<640x128xf32, #tpu.memory_space<vmem_shared>>)
      tpu.yield
    }) : () -> ()
    %barrier3A = arith.constant 0 : index
    tpu.barrier barrier_id(%barrier3A)
    %mul3A_3 = arith.constant 16 : i32
    %mul3A_4 = arith.muli %arg0, %mul3A_3 : i32
    %add3A = arith.addi %mul3A_4, %arg1 : i32
    %mul3A_5 = arith.constant 10000 : i32
    %mul3A_6 = arith.muli %add3A, %mul3A_5 : i32
    %scan3A = arith.constant 0 : i32
    %scan3A_7 = arith.constant 0 : i32
    %scan3A_8 = arith.constant 125 : i32
    %scan3A_9 = arith.addi %scan3A_7, %scan3A_8 : i32
    %scan3A_10 = arith.constant 1 : i32
    scf.for %scan3A_17 = %scan3A_7 to %scan3A_9 step %scan3A_10  : i32 {
      %mul3A_18 = arith.constant 80 : i32
      %mul3A_19 = arith.muli %scan3A_17, %mul3A_18 : i32
      %add3A_20 = arith.addi %mul3A_6, %mul3A_19 : i32
      "tpu.region"() ({
        %run_scoped3A = tpu.sem_alloc : memref<!tpu.dma_semaphore, #tpu.memory_space<semaphore_mem>>
        %dma_start3A_25 = tpu.memref_slice %arg4[%add3A_20] : memref<320000xi32, #tpu.memory_space<hbm>> -> memref<80xi32, #tpu.memory_space<hbm>>
        %dma_start3A_26 = tpu.memref_slice %arg4[%add3A_20] : memref<320000xi32, #tpu.memory_space<hbm>> -> memref<80xi32, #tpu.memory_space<hbm>>
        tpu.enqueue_dma source(%dma_start3A_26 : memref<80xi32, #tpu.memory_space<hbm>>) target(%arg8 : memref<80xi32, #tpu.memory_space<vmem>>) target_semaphore(%run_scoped3A : memref<!tpu.dma_semaphore, #tpu.memory_space<semaphore_mem>>)
        %dma_wait3A_27 = tpu.memref_slice %arg4[%add3A_20] : memref<320000xi32, #tpu.memory_space<hbm>> -> memref<80xi32, #tpu.memory_space<hbm>>
        %dma_wait3A_28 = tpu.memref_slice %arg4[%add3A_20] : memref<320000xi32, #tpu.memory_space<hbm>> -> memref<80xi32, #tpu.memory_space<hbm>>
        tpu.wait_dma2 semaphore(%run_scoped3A : memref<!tpu.dma_semaphore, #tpu.memory_space<semaphore_mem>>) src(%dma_wait3A_28 : memref<80xi32, #tpu.memory_space<hbm>>) dst(%arg8 : memref<80xi32, #tpu.memory_space<vmem>>)
        tpu.yield
      }) : () -> ()
      "tpu.region"() ({
        %run_scoped3A = tpu.sem_alloc : memref<!tpu.dma_semaphore, #tpu.memory_space<semaphore_mem>>
        %dma_start3A_25 = tpu.memref_slice %arg5[%add3A_20] : memref<320000xi32, #tpu.memory_space<hbm>> -> memref<80xi32, #tpu.memory_space<hbm>>
        %dma_start3A_26 = tpu.memref_slice %arg5[%add3A_20] : memref<320000xi32, #tpu.memory_space<hbm>> -> memref<80xi32, #tpu.memory_space<hbm>>
        tpu.enqueue_dma source(%dma_start3A_26 : memref<80xi32, #tpu.memory_space<hbm>>) target(%arg9 : memref<80xi32, #tpu.memory_space<vmem>>) target_semaphore(%run_scoped3A : memref<!tpu.dma_semaphore, #tpu.memory_space<semaphore_mem>>)
        %dma_wait3A_27 = tpu.memref_slice %arg5[%add3A_20] : memref<320000xi32, #tpu.memory_space<hbm>> -> memref<80xi32, #tpu.memory_space<hbm>>
        %dma_wait3A_28 = tpu.memref_slice %arg5[%add3A_20] : memref<320000xi32, #tpu.memory_space<hbm>> -> memref<80xi32, #tpu.memory_space<hbm>>
        tpu.wait_dma2 semaphore(%run_scoped3A : memref<!tpu.dma_semaphore, #tpu.memory_space<semaphore_mem>>) src(%dma_wait3A_28 : memref<80xi32, #tpu.memory_space<hbm>>) dst(%arg9 : memref<80xi32, #tpu.memory_space<vmem>>)
        tpu.yield
      }) : () -> ()
      "tpu.region"() ({
        %run_scoped3A = tpu.sem_alloc : memref<!tpu.dma_semaphore, #tpu.memory_space<semaphore_mem>>
        %dma_start3A_25 = arith.constant 0 : i32
        %dma_start3A_26 = tpu.memref_slice %arg2[%add3A_20, %dma_start3A_25] : memref<320000x128xf32, #tpu.memory_space<hbm>> -> memref<80x128xf32, #tpu.memory_space<hbm>>
        %dma_start3A_27 = arith.constant 0 : i32
        %dma_start3A_28 = tpu.memref_slice %arg2[%add3A_20, %dma_start3A_27] : memref<320000x128xf32, #tpu.memory_space<hbm>> -> memref<80x128xf32, #tpu.memory_space<hbm>>
        tpu.enqueue_dma source(%dma_start3A_28 : memref<80x128xf32, #tpu.memory_space<hbm>>) target(%arg10 : memref<80x128xf32, #tpu.memory_space<vmem>>) target_semaphore(%run_scoped3A : memref<!tpu.dma_semaphore, #tpu.memory_space<semaphore_mem>>)
        %dma_wait3A_29 = arith.constant 0 : i32
        %dma_wait3A_30 = tpu.memref_slice %arg2[%add3A_20, %dma_wait3A_29] : memref<320000x128xf32, #tpu.memory_space<hbm>> -> memref<80x128xf32, #tpu.memory_space<hbm>>
        %dma_wait3A_31 = arith.constant 0 : i32
        %dma_wait3A_32 = tpu.memref_slice %arg2[%add3A_20, %dma_wait3A_31] : memref<320000x128xf32, #tpu.memory_space<hbm>> -> memref<80x128xf32, #tpu.memory_space<hbm>>
        tpu.wait_dma2 semaphore(%run_scoped3A : memref<!tpu.dma_semaphore, #tpu.memory_space<semaphore_mem>>) src(%dma_wait3A_32 : memref<80x128xf32, #tpu.memory_space<hbm>>) dst(%arg10 : memref<80x128xf32, #tpu.memory_space<vmem>>)
        tpu.yield
      }) : () -> ()
      %dma_start3A = arith.constant 0 : i32
      %dma_start3A_21 = arith.constant 0 : i32
      %dma_start3A_22 = tpu.memref_slice %arg3[%dma_start3A, %dma_start3A_21] : memref<10000x128xf32, #tpu.memory_space<hbm>> -> memref<10000x128xf32, #tpu.memory_space<hbm>>
      tpu.enqueue_indirect_dma source(%dma_start3A_22 : memref<10000x128xf32, #tpu.memory_space<hbm>>) target(%arg11 : memref<80x128xf32, #tpu.memory_space<vmem>>) offsets(%arg8 : memref<80xi32, #tpu.memory_space<vmem>>) semaphore(%arg13 : memref<!tpu.dma_semaphore, #tpu.memory_space<semaphore_mem>>)
      %dma_wait3A = arith.constant 0 : i32
      %dma_wait3A_23 = arith.constant 0 : i32
      %dma_wait3A_24 = tpu.memref_slice %arg3[%dma_wait3A, %dma_wait3A_23] : memref<10000x128xf32, #tpu.memory_space<hbm>> -> memref<10000x128xf32, #tpu.memory_space<hbm>>
      tpu.wait_indirect_dma semaphore(%arg13 : memref<!tpu.dma_semaphore, #tpu.memory_space<semaphore_mem>>) src(%dma_wait3A_24 : memref<10000x128xf32, #tpu.memory_space<hbm>>) dst(%arg11 : memref<80x128xf32, #tpu.memory_space<vmem>>)
      "tpu.region"() ({
        %run_scoped3A = tpu.sem_alloc : memref<!tpu.dma_semaphore, #tpu.memory_space<semaphore_mem>>
        %dma_start3A_25 = arith.constant 0 : i32
        %dma_start3A_26 = arith.constant 0 : i32
        %dma_start3A_27 = tpu.memref_slice %arg12[%dma_start3A_25, %dma_start3A_26] : memref<10240x128xf32, #tpu.memory_space<vmem_shared>> -> memref<10240x128xf32, #tpu.memory_space<vmem_shared>>
        tpu.enqueue_indirect_dma source(%arg10 : memref<80x128xf32, #tpu.memory_space<vmem>>) target(%dma_start3A_27 : memref<10240x128xf32, #tpu.memory_space<vmem_shared>>) offsets(%arg9 : memref<80xi32, #tpu.memory_space<vmem>>) semaphore(%run_scoped3A : memref<!tpu.dma_semaphore, #tpu.memory_space<semaphore_mem>>) {add = true}
        %dma_wait3A_28 = arith.constant 0 : i32
        %dma_wait3A_29 = arith.constant 0 : i32
        %dma_wait3A_30 = tpu.memref_slice %arg12[%dma_wait3A_28, %dma_wait3A_29] : memref<10240x128xf32, #tpu.memory_space<vmem_shared>> -> memref<10240x128xf32, #tpu.memory_space<vmem_shared>>
        tpu.wait_indirect_dma semaphore(%run_scoped3A : memref<!tpu.dma_semaphore, #tpu.memory_space<semaphore_mem>>) src(%arg10 : memref<80x128xf32, #tpu.memory_space<vmem>>) dst(%dma_wait3A_30 : memref<10240x128xf32, #tpu.memory_space<vmem_shared>>)
        tpu.yield
      }) : () -> ()
      "tpu.region"() ({
        %run_scoped3A = tpu.sem_alloc : memref<!tpu.dma_semaphore, #tpu.memory_space<semaphore_mem>>
        %dma_start3A_25 = arith.constant 0 : i32
        %dma_start3A_26 = arith.constant 0 : i32
        %dma_start3A_27 = tpu.memref_slice %arg12[%dma_start3A_25, %dma_start3A_26] : memref<10240x128xf32, #tpu.memory_space<vmem_shared>> -> memref<10240x128xf32, #tpu.memory_space<vmem_shared>>
        tpu.enqueue_indirect_dma source(%arg11 : memref<80x128xf32, #tpu.memory_space<vmem>>) target(%dma_start3A_27 : memref<10240x128xf32, #tpu.memory_space<vmem_shared>>) offsets(%arg9 : memref<80xi32, #tpu.memory_space<vmem>>) semaphore(%run_scoped3A : memref<!tpu.dma_semaphore, #tpu.memory_space<semaphore_mem>>) {add = true}
        %dma_wait3A_28 = arith.constant 0 : i32
        %dma_wait3A_29 = arith.constant 0 : i32
        %dma_wait3A_30 = tpu.memref_slice %arg12[%dma_wait3A_28, %dma_wait3A_29] : memref<10240x128xf32, #tpu.memory_space<vmem_shared>> -> memref<10240x128xf32, #tpu.memory_space<vmem_shared>>
        tpu.wait_indirect_dma semaphore(%run_scoped3A : memref<!tpu.dma_semaphore, #tpu.memory_space<semaphore_mem>>) src(%arg11 : memref<80x128xf32, #tpu.memory_space<vmem>>) dst(%dma_wait3A_30 : memref<10240x128xf32, #tpu.memory_space<vmem_shared>>)
        tpu.yield
      }) : () -> ()
    }
    %scan3A_11 = arith.constant 125 : i32
    %barrier3A_12 = arith.constant 0 : index
    tpu.barrier barrier_id(%barrier3A_12)
    %mul3A_13 = arith.constant 640 : i32
    %mul3A_14 = arith.muli %arg1, %mul3A_13 : i32
    %mul3A_15 = arith.constant 640 : i32
    %mul3A_16 = arith.muli %arg1, %mul3A_15 : i32
    "tpu.region"() ({
      %run_scoped3A = tpu.sem_alloc : memref<!tpu.dma_semaphore, #tpu.memory_space<semaphore_mem>>
      %dma_start3A = arith.constant 0 : i32
      %dma_start3A_17 = tpu.memref_slice %arg7[%arg0, %mul3A_16, %dma_start3A] : memref<2x10240x128xf32, #tpu.memory_space<hbm>> -> memref<1x640x128xf32, #tpu.memory_space<hbm>>
      %dma_start3A_18 = tpu.memref_squeeze %dma_start3A_17 : memref<1x640x128xf32, #tpu.memory_space<hbm>> -> memref<640x128xf32, #tpu.memory_space<hbm>>
      %dma_start3A_19 = arith.constant 0 : i32
      %dma_start3A_20 = tpu.memref_slice %arg12[%mul3A_14, %dma_start3A_19] : memref<10240x128xf32, #tpu.memory_space<vmem_shared>> -> memref<640x128xf32, #tpu.memory_space<vmem_shared>>
      tpu.enqueue_dma source(%dma_start3A_20 : memref<640x128xf32, #tpu.memory_space<vmem_shared>>) target(%dma_start3A_18 : memref<640x128xf32, #tpu.memory_space<hbm>>) target_semaphore(%run_scoped3A : memref<!tpu.dma_semaphore, #tpu.memory_space<semaphore_mem>>)
      %dma_wait3A = arith.constant 0 : i32
      %dma_wait3A_21 = tpu.memref_slice %arg7[%arg0, %mul3A_16, %dma_wait3A] : memref<2x10240x128xf32, #tpu.memory_space<hbm>> -> memref<1x640x128xf32, #tpu.memory_space<hbm>>
      %dma_wait3A_22 = tpu.memref_squeeze %dma_wait3A_21 : memref<1x640x128xf32, #tpu.memory_space<hbm>> -> memref<640x128xf32, #tpu.memory_space<hbm>>
      %dma_wait3A_23 = arith.constant 0 : i32
      %dma_wait3A_24 = tpu.memref_slice %arg12[%mul3A_14, %dma_wait3A_23] : memref<10240x128xf32, #tpu.memory_space<vmem_shared>> -> memref<640x128xf32, #tpu.memory_space<vmem_shared>>
      tpu.wait_dma2 semaphore(%run_scoped3A : memref<!tpu.dma_semaphore, #tpu.memory_space<semaphore_mem>>) src(%dma_wait3A_24 : memref<640x128xf32, #tpu.memory_space<vmem_shared>>) dst(%dma_wait3A_22 : memref<640x128xf32, #tpu.memory_space<hbm>>)
      tpu.yield
    }) : () -> ()
    return
  }
}

#map = affine_map<(d0, d1) -> (0, 0)>
#map1 = affine_map<(d0, d1) -> (0)>
#map2 = affine_map<(d0, d1) -> (0, 0, 0)>
module attributes {stable_mosaic.version = 14 : i64} {
  func.func @_sc_scatter(%arg0: i32, %arg1: i32, %arg2: memref<320000x128xf32, #tpu.memory_space<hbm>>, %arg3: memref<10240x128xf32, #tpu.memory_space<hbm>>, %arg4: memref<320000xi32, #tpu.memory_space<hbm>>, %arg5: memref<320000xi32, #tpu.memory_space<hbm>>, %arg6: memref<10240x128xf32, #tpu.memory_space<hbm>>, %arg7: memref<2x10240x128xf32, #tpu.memory_space<hbm>>, %arg8: memref<80xi32, #tpu.memory_space<vmem>>, %arg9: memref<80xi32, #tpu.memory_space<vmem>>, %arg10: memref<80x128xf32, #tpu.memory_space<vmem>>, %arg11: memref<80x128xf32, #tpu.memory_space<vmem>>, %arg12: memref<10240x128xf32, #tpu.memory_space<vmem_shared>>, %arg13: memref<!tpu.dma_semaphore, #tpu.memory_space<semaphore_mem>>) attributes {dimension_semantics = [#tpu.dimension_semantics<core_parallel>, #tpu.dimension_semantics<subcore_parallel>], iteration_bounds = array<i64: 2, 16>, scalar_prefetch = 0 : i64, scratch_operands = 6 : i64, tpu.core_type = #tpu.core_type<sc_vector_subcore>, window_params = [{transform_indices = #map}, {transform_indices = #map}, {transform_indices = #map1}, {transform_indices = #map1}, {transform_indices = #map}, {transform_indices = #map2}]} {
    %mul3A = arith.constant 640 : i32
    %mul3A_0 = arith.muli %arg1, %mul3A : i32
    %mul3A_1 = arith.constant 640 : i32
    %mul3A_2 = arith.muli %arg1, %mul3A_1 : i32
    "tpu.region"() ({
      %run_scoped3A = tpu.sem_alloc : memref<!tpu.dma_semaphore, #tpu.memory_space<semaphore_mem>>
      %dma_start3A = arith.constant 0 : i32
      %dma_start3A_17 = tpu.memref_slice %arg12[%mul3A_2, %dma_start3A] : memref<10240x128xf32, #tpu.memory_space<vmem_shared>> -> memref<640x128xf32, #tpu.memory_space<vmem_shared>>
      %dma_start3A_18 = arith.constant 0 : i32
      %dma_start3A_19 = tpu.memref_slice %arg6[%mul3A_0, %dma_start3A_18] : memref<10240x128xf32, #tpu.memory_space<hbm>> -> memref<640x128xf32, #tpu.memory_space<hbm>>
      tpu.enqueue_dma source(%dma_start3A_19 : memref<640x128xf32, #tpu.memory_space<hbm>>) target(%dma_start3A_17 : memref<640x128xf32, #tpu.memory_space<vmem_shared>>) target_semaphore(%run_scoped3A : memref<!tpu.dma_semaphore, #tpu.memory_space<semaphore_mem>>)
      %dma_wait3A = arith.constant 0 : i32
      %dma_wait3A_20 = tpu.memref_slice %arg12[%mul3A_2, %dma_wait3A] : memref<10240x128xf32, #tpu.memory_space<vmem_shared>> -> memref<640x128xf32, #tpu.memory_space<vmem_shared>>
      %dma_wait3A_21 = arith.constant 0 : i32
      %dma_wait3A_22 = tpu.memref_slice %arg6[%mul3A_0, %dma_wait3A_21] : memref<10240x128xf32, #tpu.memory_space<hbm>> -> memref<640x128xf32, #tpu.memory_space<hbm>>
      tpu.wait_dma2 semaphore(%run_scoped3A : memref<!tpu.dma_semaphore, #tpu.memory_space<semaphore_mem>>) src(%dma_wait3A_22 : memref<640x128xf32, #tpu.memory_space<hbm>>) dst(%dma_wait3A_20 : memref<640x128xf32, #tpu.memory_space<vmem_shared>>)
      tpu.yield
    }) : () -> ()
    %barrier3A = arith.constant 0 : index
    tpu.barrier barrier_id(%barrier3A)
    %mul3A_3 = arith.constant 16 : i32
    %mul3A_4 = arith.muli %arg0, %mul3A_3 : i32
    %add3A = arith.addi %mul3A_4, %arg1 : i32
    %mul3A_5 = arith.constant 10000 : i32
    %mul3A_6 = arith.muli %add3A, %mul3A_5 : i32
    %scan3A = arith.constant 0 : i32
    %scan3A_7 = arith.constant 0 : i32
    %scan3A_8 = arith.constant 125 : i32
    %scan3A_9 = arith.addi %scan3A_7, %scan3A_8 : i32
    %scan3A_10 = arith.constant 1 : i32
    scf.for %scan3A_17 = %scan3A_7 to %scan3A_9 step %scan3A_10  : i32 {
      %mul3A_18 = arith.constant 80 : i32
      %mul3A_19 = arith.muli %scan3A_17, %mul3A_18 : i32
      %add3A_20 = arith.addi %mul3A_6, %mul3A_19 : i32
      "tpu.region"() ({
        %run_scoped3A = tpu.sem_alloc : memref<!tpu.dma_semaphore, #tpu.memory_space<semaphore_mem>>
        %dma_start3A_25 = tpu.memref_slice %arg4[%add3A_20] : memref<320000xi32, #tpu.memory_space<hbm>> -> memref<80xi32, #tpu.memory_space<hbm>>
        %dma_start3A_26 = tpu.memref_slice %arg4[%add3A_20] : memref<320000xi32, #tpu.memory_space<hbm>> -> memref<80xi32, #tpu.memory_space<hbm>>
        tpu.enqueue_dma source(%dma_start3A_26 : memref<80xi32, #tpu.memory_space<hbm>>) target(%arg8 : memref<80xi32, #tpu.memory_space<vmem>>) target_semaphore(%run_scoped3A : memref<!tpu.dma_semaphore, #tpu.memory_space<semaphore_mem>>)
        %dma_wait3A_27 = tpu.memref_slice %arg4[%add3A_20] : memref<320000xi32, #tpu.memory_space<hbm>> -> memref<80xi32, #tpu.memory_space<hbm>>
        %dma_wait3A_28 = tpu.memref_slice %arg4[%add3A_20] : memref<320000xi32, #tpu.memory_space<hbm>> -> memref<80xi32, #tpu.memory_space<hbm>>
        tpu.wait_dma2 semaphore(%run_scoped3A : memref<!tpu.dma_semaphore, #tpu.memory_space<semaphore_mem>>) src(%dma_wait3A_28 : memref<80xi32, #tpu.memory_space<hbm>>) dst(%arg8 : memref<80xi32, #tpu.memory_space<vmem>>)
        tpu.yield
      }) : () -> ()
      "tpu.region"() ({
        %run_scoped3A = tpu.sem_alloc : memref<!tpu.dma_semaphore, #tpu.memory_space<semaphore_mem>>
        %dma_start3A_25 = tpu.memref_slice %arg5[%add3A_20] : memref<320000xi32, #tpu.memory_space<hbm>> -> memref<80xi32, #tpu.memory_space<hbm>>
        %dma_start3A_26 = tpu.memref_slice %arg5[%add3A_20] : memref<320000xi32, #tpu.memory_space<hbm>> -> memref<80xi32, #tpu.memory_space<hbm>>
        tpu.enqueue_dma source(%dma_start3A_26 : memref<80xi32, #tpu.memory_space<hbm>>) target(%arg9 : memref<80xi32, #tpu.memory_space<vmem>>) target_semaphore(%run_scoped3A : memref<!tpu.dma_semaphore, #tpu.memory_space<semaphore_mem>>)
        %dma_wait3A_27 = tpu.memref_slice %arg5[%add3A_20] : memref<320000xi32, #tpu.memory_space<hbm>> -> memref<80xi32, #tpu.memory_space<hbm>>
        %dma_wait3A_28 = tpu.memref_slice %arg5[%add3A_20] : memref<320000xi32, #tpu.memory_space<hbm>> -> memref<80xi32, #tpu.memory_space<hbm>>
        tpu.wait_dma2 semaphore(%run_scoped3A : memref<!tpu.dma_semaphore, #tpu.memory_space<semaphore_mem>>) src(%dma_wait3A_28 : memref<80xi32, #tpu.memory_space<hbm>>) dst(%arg9 : memref<80xi32, #tpu.memory_space<vmem>>)
        tpu.yield
      }) : () -> ()
      "tpu.region"() ({
        %run_scoped3A = tpu.sem_alloc : memref<!tpu.dma_semaphore, #tpu.memory_space<semaphore_mem>>
        %dma_start3A_25 = arith.constant 0 : i32
        %dma_start3A_26 = tpu.memref_slice %arg2[%add3A_20, %dma_start3A_25] : memref<320000x128xf32, #tpu.memory_space<hbm>> -> memref<80x128xf32, #tpu.memory_space<hbm>>
        %dma_start3A_27 = arith.constant 0 : i32
        %dma_start3A_28 = tpu.memref_slice %arg2[%add3A_20, %dma_start3A_27] : memref<320000x128xf32, #tpu.memory_space<hbm>> -> memref<80x128xf32, #tpu.memory_space<hbm>>
        tpu.enqueue_dma source(%dma_start3A_28 : memref<80x128xf32, #tpu.memory_space<hbm>>) target(%arg10 : memref<80x128xf32, #tpu.memory_space<vmem>>) target_semaphore(%run_scoped3A : memref<!tpu.dma_semaphore, #tpu.memory_space<semaphore_mem>>)
        %dma_wait3A_29 = arith.constant 0 : i32
        %dma_wait3A_30 = tpu.memref_slice %arg2[%add3A_20, %dma_wait3A_29] : memref<320000x128xf32, #tpu.memory_space<hbm>> -> memref<80x128xf32, #tpu.memory_space<hbm>>
        %dma_wait3A_31 = arith.constant 0 : i32
        %dma_wait3A_32 = tpu.memref_slice %arg2[%add3A_20, %dma_wait3A_31] : memref<320000x128xf32, #tpu.memory_space<hbm>> -> memref<80x128xf32, #tpu.memory_space<hbm>>
        tpu.wait_dma2 semaphore(%run_scoped3A : memref<!tpu.dma_semaphore, #tpu.memory_space<semaphore_mem>>) src(%dma_wait3A_32 : memref<80x128xf32, #tpu.memory_space<hbm>>) dst(%arg10 : memref<80x128xf32, #tpu.memory_space<vmem>>)
        tpu.yield
      }) : () -> ()
      %dma_start3A = arith.constant 0 : i32
      %dma_start3A_21 = arith.constant 0 : i32
      %dma_start3A_22 = tpu.memref_slice %arg3[%dma_start3A, %dma_start3A_21] : memref<10240x128xf32, #tpu.memory_space<hbm>> -> memref<10240x128xf32, #tpu.memory_space<hbm>>
      tpu.enqueue_indirect_dma source(%dma_start3A_22 : memref<10240x128xf32, #tpu.memory_space<hbm>>) target(%arg11 : memref<80x128xf32, #tpu.memory_space<vmem>>) offsets(%arg8 : memref<80xi32, #tpu.memory_space<vmem>>) semaphore(%arg13 : memref<!tpu.dma_semaphore, #tpu.memory_space<semaphore_mem>>)
      %dma_wait3A = arith.constant 0 : i32
      %dma_wait3A_23 = arith.constant 0 : i32
      %dma_wait3A_24 = tpu.memref_slice %arg3[%dma_wait3A, %dma_wait3A_23] : memref<10240x128xf32, #tpu.memory_space<hbm>> -> memref<10240x128xf32, #tpu.memory_space<hbm>>
      tpu.wait_indirect_dma semaphore(%arg13 : memref<!tpu.dma_semaphore, #tpu.memory_space<semaphore_mem>>) src(%dma_wait3A_24 : memref<10240x128xf32, #tpu.memory_space<hbm>>) dst(%arg11 : memref<80x128xf32, #tpu.memory_space<vmem>>)
      "tpu.region"() ({
        %run_scoped3A = tpu.sem_alloc : memref<!tpu.dma_semaphore, #tpu.memory_space<semaphore_mem>>
        %dma_start3A_25 = arith.constant 0 : i32
        %dma_start3A_26 = arith.constant 0 : i32
        %dma_start3A_27 = tpu.memref_slice %arg12[%dma_start3A_25, %dma_start3A_26] : memref<10240x128xf32, #tpu.memory_space<vmem_shared>> -> memref<10240x128xf32, #tpu.memory_space<vmem_shared>>
        tpu.enqueue_indirect_dma source(%arg10 : memref<80x128xf32, #tpu.memory_space<vmem>>) target(%dma_start3A_27 : memref<10240x128xf32, #tpu.memory_space<vmem_shared>>) offsets(%arg9 : memref<80xi32, #tpu.memory_space<vmem>>) semaphore(%run_scoped3A : memref<!tpu.dma_semaphore, #tpu.memory_space<semaphore_mem>>) {add = true}
        %dma_wait3A_28 = arith.constant 0 : i32
        %dma_wait3A_29 = arith.constant 0 : i32
        %dma_wait3A_30 = tpu.memref_slice %arg12[%dma_wait3A_28, %dma_wait3A_29] : memref<10240x128xf32, #tpu.memory_space<vmem_shared>> -> memref<10240x128xf32, #tpu.memory_space<vmem_shared>>
        tpu.wait_indirect_dma semaphore(%run_scoped3A : memref<!tpu.dma_semaphore, #tpu.memory_space<semaphore_mem>>) src(%arg10 : memref<80x128xf32, #tpu.memory_space<vmem>>) dst(%dma_wait3A_30 : memref<10240x128xf32, #tpu.memory_space<vmem_shared>>)
        tpu.yield
      }) : () -> ()
      "tpu.region"() ({
        %run_scoped3A = tpu.sem_alloc : memref<!tpu.dma_semaphore, #tpu.memory_space<semaphore_mem>>
        %dma_start3A_25 = arith.constant 0 : i32
        %dma_start3A_26 = arith.constant 0 : i32
        %dma_start3A_27 = tpu.memref_slice %arg12[%dma_start3A_25, %dma_start3A_26] : memref<10240x128xf32, #tpu.memory_space<vmem_shared>> -> memref<10240x128xf32, #tpu.memory_space<vmem_shared>>
        tpu.enqueue_indirect_dma source(%arg11 : memref<80x128xf32, #tpu.memory_space<vmem>>) target(%dma_start3A_27 : memref<10240x128xf32, #tpu.memory_space<vmem_shared>>) offsets(%arg9 : memref<80xi32, #tpu.memory_space<vmem>>) semaphore(%run_scoped3A : memref<!tpu.dma_semaphore, #tpu.memory_space<semaphore_mem>>) {add = true}
        %dma_wait3A_28 = arith.constant 0 : i32
        %dma_wait3A_29 = arith.constant 0 : i32
        %dma_wait3A_30 = tpu.memref_slice %arg12[%dma_wait3A_28, %dma_wait3A_29] : memref<10240x128xf32, #tpu.memory_space<vmem_shared>> -> memref<10240x128xf32, #tpu.memory_space<vmem_shared>>
        tpu.wait_indirect_dma semaphore(%run_scoped3A : memref<!tpu.dma_semaphore, #tpu.memory_space<semaphore_mem>>) src(%arg11 : memref<80x128xf32, #tpu.memory_space<vmem>>) dst(%dma_wait3A_30 : memref<10240x128xf32, #tpu.memory_space<vmem_shared>>)
        tpu.yield
      }) : () -> ()
    }
    %scan3A_11 = arith.constant 125 : i32
    %barrier3A_12 = arith.constant 0 : index
    tpu.barrier barrier_id(%barrier3A_12)
    %mul3A_13 = arith.constant 640 : i32
    %mul3A_14 = arith.muli %arg1, %mul3A_13 : i32
    %mul3A_15 = arith.constant 640 : i32
    %mul3A_16 = arith.muli %arg1, %mul3A_15 : i32
    "tpu.region"() ({
      %run_scoped3A = tpu.sem_alloc : memref<!tpu.dma_semaphore, #tpu.memory_space<semaphore_mem>>
      %dma_start3A = arith.constant 0 : i32
      %dma_start3A_17 = tpu.memref_slice %arg7[%arg0, %mul3A_16, %dma_start3A] : memref<2x10240x128xf32, #tpu.memory_space<hbm>> -> memref<1x640x128xf32, #tpu.memory_space<hbm>>
      %dma_start3A_18 = tpu.memref_squeeze %dma_start3A_17 : memref<1x640x128xf32, #tpu.memory_space<hbm>> -> memref<640x128xf32, #tpu.memory_space<hbm>>
      %dma_start3A_19 = arith.constant 0 : i32
      %dma_start3A_20 = tpu.memref_slice %arg12[%mul3A_14, %dma_start3A_19] : memref<10240x128xf32, #tpu.memory_space<vmem_shared>> -> memref<640x128xf32, #tpu.memory_space<vmem_shared>>
      tpu.enqueue_dma source(%dma_start3A_20 : memref<640x128xf32, #tpu.memory_space<vmem_shared>>) target(%dma_start3A_18 : memref<640x128xf32, #tpu.memory_space<hbm>>) target_semaphore(%run_scoped3A : memref<!tpu.dma_semaphore, #tpu.memory_space<semaphore_mem>>)
      %dma_wait3A = arith.constant 0 : i32
      %dma_wait3A_21 = tpu.memref_slice %arg7[%arg0, %mul3A_16, %dma_wait3A] : memref<2x10240x128xf32, #tpu.memory_space<hbm>> -> memref<1x640x128xf32, #tpu.memory_space<hbm>>
      %dma_wait3A_22 = tpu.memref_squeeze %dma_wait3A_21 : memref<1x640x128xf32, #tpu.memory_space<hbm>> -> memref<640x128xf32, #tpu.memory_space<hbm>>
      %dma_wait3A_23 = arith.constant 0 : i32
      %dma_wait3A_24 = tpu.memref_slice %arg12[%mul3A_14, %dma_wait3A_23] : memref<10240x128xf32, #tpu.memory_space<vmem_shared>> -> memref<640x128xf32, #tpu.memory_space<vmem_shared>>
      tpu.wait_dma2 semaphore(%run_scoped3A : memref<!tpu.dma_semaphore, #tpu.memory_space<semaphore_mem>>) src(%dma_wait3A_24 : memref<640x128xf32, #tpu.memory_space<vmem_shared>>) dst(%dma_wait3A_22 : memref<640x128xf32, #tpu.memory_space<hbm>>)
      tpu.yield
    }) : () -> ()
    return
  }
}

module attributes {stable_mosaic.version = 14 : i64} {
  func.func @_edge_mlp_body(%arg0: i32, %arg1: memref<2000x1xf32, #tpu.memory_space<vmem>>, %arg2: memref<2000x128xf32, #tpu.memory_space<vmem>>, %arg3: memref<128x258xf32, #tpu.memory_space<vmem>>, %arg4: memref<1x258xf32, #tpu.memory_space<vmem>>, %arg5: memref<1x258xf32, #tpu.memory_space<vmem>>, %arg6: memref<258x128xf32, #tpu.memory_space<vmem>>, %arg7: memref<1x128xf32, #tpu.memory_space<vmem>>, %arg8: memref<128x258xf32, #tpu.memory_space<vmem>>, %arg9: memref<1x258xf32, #tpu.memory_space<vmem>>, %arg10: memref<1x258xf32, #tpu.memory_space<vmem>>, %arg11: memref<258x128xf32, #tpu.memory_space<vmem>>, %arg12: memref<1x128xf32, #tpu.memory_space<vmem>>, %arg13: memref<2000x128xf32, #tpu.memory_space<vmem>>, %arg14: memref<2000x128xf32, #tpu.memory_space<vmem>>) attributes {dimension_semantics = [#tpu.dimension_semantics<arbitrary>], iteration_bounds = array<i64: 160>, scalar_prefetch = 0 : i64, scratch_operands = 0 : i64, tpu.core_type = #tpu.core_type<tc>, window_params = [{transform_indices = @transform_0, window_bounds = array<i64: 2000, 1>}, {transform_indices = @transform_1, window_bounds = array<i64: 2000, 128>}, {pipeline_mode = #tpu.pipeline_mode<synchronous>, transform_indices = @transform_2, window_bounds = array<i64: 128, 258>}, {pipeline_mode = #tpu.pipeline_mode<synchronous>, transform_indices = @transform_3, window_bounds = array<i64: 1, 258>}, {pipeline_mode = #tpu.pipeline_mode<synchronous>, transform_indices = @transform_4, window_bounds = array<i64: 1, 258>}, {pipeline_mode = #tpu.pipeline_mode<synchronous>, transform_indices = @transform_5, window_bounds = array<i64: 258, 128>}, {pipeline_mode = #tpu.pipeline_mode<synchronous>, transform_indices = @transform_6, window_bounds = array<i64: 1, 128>}, {pipeline_mode = #tpu.pipeline_mode<synchronous>, transform_indices = @transform_7, window_bounds = array<i64: 128, 258>}, {pipeline_mode = #tpu.pipeline_mode<synchronous>, transform_indices = @transform_8, window_bounds = array<i64: 1, 258>}, {pipeline_mode = #tpu.pipeline_mode<synchronous>, transform_indices = @transform_9, window_bounds = array<i64: 1, 258>}, {pipeline_mode = #tpu.pipeline_mode<synchronous>, transform_indices = @transform_10, window_bounds = array<i64: 258, 128>}, {pipeline_mode = #tpu.pipeline_mode<synchronous>, transform_indices = @transform_11, window_bounds = array<i64: 1, 128>}, {transform_indices = @transform_12, window_bounds = array<i64: 2000, 128>}, {transform_indices = @transform_13, window_bounds = array<i64: 2000, 128>}]} {
    %get3A = arith.constant 0 : index
    %get3A_0 = arith.constant 0 : index
    %get3A_1 = vector.load %arg2[%get3A, %get3A_0] : memref<2000x128xf32, #tpu.memory_space<vmem>>, vector<2000x128xf32>
    %get3A_2 = arith.constant 0 : index
    %get3A_3 = arith.constant 0 : index
    %get3A_4 = vector.load %arg1[%get3A_2, %get3A_3] : memref<2000x1xf32, #tpu.memory_space<vmem>>, vector<2000x1xf32>
    %get3A_5 = arith.constant 0 : index
    %get3A_6 = arith.constant 0 : index
    %get3A_7 = vector.load %arg3[%get3A_5, %get3A_6] : memref<128x258xf32, #tpu.memory_space<vmem>>, vector<128x258xf32>
    %dot_general3A = arith.constant dense<0.000000e+00> : vector<2000x258xf32>
    %dot_general3A_8 = tpu.matmul %get3A_1, %get3A_7, %dot_general3A {dimension_numbers = #tpu.dot_dimension_numbers<[1], [0], [0], [1], [0, 0, 1, 1], [], []>, transpose_lhs_hint = false} : vector<2000x128xf32>, vector<128x258xf32>, vector<2000x258xf32> -> vector<2000x258xf32>
    %get3A_9 = arith.constant 0 : index
    %get3A_10 = arith.constant 0 : index
    %get3A_11 = vector.load %arg4[%get3A_9, %get3A_10] : memref<1x258xf32, #tpu.memory_space<vmem>>, vector<1x258xf32>
    %mul3A = vector.broadcast %get3A_4 : vector<2000x1xf32> to vector<2000x258xf32>
    %mul3A_12 = vector.broadcast %get3A_11 : vector<1x258xf32> to vector<2000x258xf32>
    %mul3A_13 = arith.mulf %mul3A, %mul3A_12 : vector<2000x258xf32>
    %add3A = arith.addf %dot_general3A_8, %mul3A_13 : vector<2000x258xf32>
    %get3A_14 = arith.constant 0 : index
    %get3A_15 = arith.constant 0 : index
    %get3A_16 = vector.load %arg5[%get3A_14, %get3A_15] : memref<1x258xf32, #tpu.memory_space<vmem>>, vector<1x258xf32>
    %add3A_17 = vector.broadcast %get3A_16 : vector<1x258xf32> to vector<2000x258xf32>
    %add3A_18 = arith.addf %add3A, %add3A_17 : vector<2000x258xf32>
    %max3A = arith.constant 0.000000e+00 : f32
    %max3A_19 = vector.broadcast %max3A : f32 to vector<2000x258xf32>
    %max3A_20 = arith.maximumf %add3A_18, %max3A_19 : vector<2000x258xf32>
    %get3A_21 = arith.constant 0 : index
    %get3A_22 = arith.constant 0 : index
    %get3A_23 = vector.load %arg6[%get3A_21, %get3A_22] : memref<258x128xf32, #tpu.memory_space<vmem>>, vector<258x128xf32>
    %dot_general3A_24 = arith.constant dense<0.000000e+00> : vector<2000x128xf32>
    %dot_general3A_25 = tpu.matmul %max3A_20, %get3A_23, %dot_general3A_24 {dimension_numbers = #tpu.dot_dimension_numbers<[1], [0], [0], [1], [0, 0, 1, 1], [], []>, transpose_lhs_hint = false} : vector<2000x258xf32>, vector<258x128xf32>, vector<2000x128xf32> -> vector<2000x128xf32>
    %get3A_26 = arith.constant 0 : index
    %get3A_27 = arith.constant 0 : index
    %get3A_28 = vector.load %arg7[%get3A_26, %get3A_27] : memref<1x128xf32, #tpu.memory_space<vmem>>, vector<1x128xf32>
    %add3A_29 = vector.broadcast %get3A_28 : vector<1x128xf32> to vector<2000x128xf32>
    %add3A_30 = arith.addf %dot_general3A_25, %add3A_29 : vector<2000x128xf32>
    %swap3A = arith.constant 0 : index
    %swap3A_31 = arith.constant 0 : index
    %swap3A_32 = vector.load %arg13[%swap3A, %swap3A_31] : memref<2000x128xf32, #tpu.memory_space<vmem>>, vector<2000x128xf32>
    tpu.vector_store %arg13[%swap3A, %swap3A_31], %add3A_30 {strides = array<i32>} : memref<2000x128xf32, #tpu.memory_space<vmem>>, vector<2000x128xf32>,
    %get3A_33 = arith.constant 0 : index
    %get3A_34 = arith.constant 0 : index
    %get3A_35 = vector.load %arg8[%get3A_33, %get3A_34] : memref<128x258xf32, #tpu.memory_space<vmem>>, vector<128x258xf32>
    %dot_general3A_36 = arith.constant dense<0.000000e+00> : vector<2000x258xf32>
    %dot_general3A_37 = tpu.matmul %get3A_1, %get3A_35, %dot_general3A_36 {dimension_numbers = #tpu.dot_dimension_numbers<[1], [0], [0], [1], [0, 0, 1, 1], [], []>, transpose_lhs_hint = false} : vector<2000x128xf32>, vector<128x258xf32>, vector<2000x258xf32> -> vector<2000x258xf32>
    %get3A_38 = arith.constant 0 : index
    %get3A_39 = arith.constant 0 : index
    %get3A_40 = vector.load %arg9[%get3A_38, %get3A_39] : memref<1x258xf32, #tpu.memory_space<vmem>>, vector<1x258xf32>
    %mul3A_41 = vector.broadcast %get3A_4 : vector<2000x1xf32> to vector<2000x258xf32>
    %mul3A_42 = vector.broadcast %get3A_40 : vector<1x258xf32> to vector<2000x258xf32>
    %mul3A_43 = arith.mulf %mul3A_41, %mul3A_42 : vector<2000x258xf32>
    %add3A_44 = arith.addf %dot_general3A_37, %mul3A_43 : vector<2000x258xf32>
    %get3A_45 = arith.constant 0 : index
    %get3A_46 = arith.constant 0 : index
    %get3A_47 = vector.load %arg10[%get3A_45, %get3A_46] : memref<1x258xf32, #tpu.memory_space<vmem>>, vector<1x258xf32>
    %add3A_48 = vector.broadcast %get3A_47 : vector<1x258xf32> to vector<2000x258xf32>
    %add3A_49 = arith.addf %add3A_44, %add3A_48 : vector<2000x258xf32>
    %max3A_50 = arith.constant 0.000000e+00 : f32
    %max3A_51 = vector.broadcast %max3A_50 : f32 to vector<2000x258xf32>
    %max3A_52 = arith.maximumf %add3A_49, %max3A_51 : vector<2000x258xf32>
    %get3A_53 = arith.constant 0 : index
    %get3A_54 = arith.constant 0 : index
    %get3A_55 = vector.load %arg11[%get3A_53, %get3A_54] : memref<258x128xf32, #tpu.memory_space<vmem>>, vector<258x128xf32>
    %dot_general3A_56 = arith.constant dense<0.000000e+00> : vector<2000x128xf32>
    %dot_general3A_57 = tpu.matmul %max3A_52, %get3A_55, %dot_general3A_56 {dimension_numbers = #tpu.dot_dimension_numbers<[1], [0], [0], [1], [0, 0, 1, 1], [], []>, transpose_lhs_hint = false} : vector<2000x258xf32>, vector<258x128xf32>, vector<2000x128xf32> -> vector<2000x128xf32>
    %get3A_58 = arith.constant 0 : index
    %get3A_59 = arith.constant 0 : index
    %get3A_60 = vector.load %arg12[%get3A_58, %get3A_59] : memref<1x128xf32, #tpu.memory_space<vmem>>, vector<1x128xf32>
    %add3A_61 = vector.broadcast %get3A_60 : vector<1x128xf32> to vector<2000x128xf32>
    %add3A_62 = arith.addf %dot_general3A_57, %add3A_61 : vector<2000x128xf32>
    %swap3A_63 = arith.constant 0 : index
    %swap3A_64 = arith.constant 0 : index
    %swap3A_65 = vector.load %arg14[%swap3A_63, %swap3A_64] : memref<2000x128xf32, #tpu.memory_space<vmem>>, vector<2000x128xf32>
    tpu.vector_store %arg14[%swap3A_63, %swap3A_64], %add3A_62 {strides = array<i32>} : memref<2000x128xf32, #tpu.memory_space<vmem>>, vector<2000x128xf32>,
    return
  }
  func.func @transform_0(%arg0: i32) -> (i32, i32) {
    %c0_i32 = arith.constant 0 : i32
    %c0_i32_0 = arith.constant 0 : i32
    return %arg0, %c0_i32 : i32, i32
  }
  func.func @transform_1(%arg0: i32) -> (i32, i32) {
    %c0_i32 = arith.constant 0 : i32
    %c0_i32_0 = arith.constant 0 : i32
    return %arg0, %c0_i32 : i32, i32
  }
  func.func @transform_2(%arg0: i32) -> (i32, i32) {
    %c0_i32 = arith.constant 0 : i32
    %c0_i32_0 = arith.constant 0 : i32
    %c0_i32_1 = arith.constant 0 : i32
    return %c0_i32, %c0_i32_0 : i32, i32
  }
  func.func @transform_3(%arg0: i32) -> (i32, i32) {
    %c0_i32 = arith.constant 0 : i32
    %c0_i32_0 = arith.constant 0 : i32
    %c0_i32_1 = arith.constant 0 : i32
    return %c0_i32, %c0_i32_0 : i32, i32
  }
  func.func @transform_4(%arg0: i32) -> (i32, i32) {
    %c0_i32 = arith.constant 0 : i32
    %c0_i32_0 = arith.constant 0 : i32
    %c0_i32_1 = arith.constant 0 : i32
    return %c0_i32, %c0_i32_0 : i32, i32
  }
  func.func @transform_5(%arg0: i32) -> (i32, i32) {
    %c0_i32 = arith.constant 0 : i32
    %c0_i32_0 = arith.constant 0 : i32
    %c0_i32_1 = arith.constant 0 : i32
    return %c0_i32, %c0_i32_0 : i32, i32
  }
  func.func @transform_6(%arg0: i32) -> (i32, i32) {
    %c0_i32 = arith.constant 0 : i32
    %c0_i32_0 = arith.constant 0 : i32
    %c0_i32_1 = arith.constant 0 : i32
    return %c0_i32, %c0_i32_0 : i32, i32
  }
  func.func @transform_7(%arg0: i32) -> (i32, i32) {
    %c0_i32 = arith.constant 0 : i32
    %c0_i32_0 = arith.constant 0 : i32
    %c0_i32_1 = arith.constant 0 : i32
    return %c0_i32, %c0_i32_0 : i32, i32
  }
  func.func @transform_8(%arg0: i32) -> (i32, i32) {
    %c0_i32 = arith.constant 0 : i32
    %c0_i32_0 = arith.constant 0 : i32
    %c0_i32_1 = arith.constant 0 : i32
    return %c0_i32, %c0_i32_0 : i32, i32
  }
  func.func @transform_9(%arg0: i32) -> (i32, i32) {
    %c0_i32 = arith.constant 0 : i32
    %c0_i32_0 = arith.constant 0 : i32
    %c0_i32_1 = arith.constant 0 : i32
    return %c0_i32, %c0_i32_0 : i32, i32
  }
  func.func @transform_10(%arg0: i32) -> (i32, i32) {
    %c0_i32 = arith.constant 0 : i32
    %c0_i32_0 = arith.constant 0 : i32
    %c0_i32_1 = arith.constant 0 : i32
    return %c0_i32, %c0_i32_0 : i32, i32
  }
  func.func @transform_11(%arg0: i32) -> (i32, i32) {
    %c0_i32 = arith.constant 0 : i32
    %c0_i32_0 = arith.constant 0 : i32
    %c0_i32_1 = arith.constant 0 : i32
    return %c0_i32, %c0_i32_0 : i32, i32
  }
  func.func @transform_12(%arg0: i32) -> (i32, i32) {
    %c0_i32 = arith.constant 0 : i32
    %c0_i32_0 = arith.constant 0 : i32
    return %arg0, %c0_i32 : i32, i32
  }
  func.func @transform_13(%arg0: i32) -> (i32, i32) {
    %c0_i32 = arith.constant 0 : i32
    %c0_i32_0 = arith.constant 0 : i32
    return %arg0, %c0_i32 : i32, i32
  }
}

module attributes {stable_mosaic.version = 14 : i64} {
  func.func @_node1_body(%arg0: memref<2x10240x128xf32, #tpu.memory_space<vmem>>, %arg1: memref<128x128xf32, #tpu.memory_space<vmem>>, %arg2: memref<1x128xf32, #tpu.memory_space<vmem>>, %arg3: memref<10240x128xf32, #tpu.memory_space<vmem>>) attributes {dimension_semantics = [], scalar_prefetch = 0 : i64, scratch_operands = 0 : i64, tpu.core_type = #tpu.core_type<tc>} {
    %get3A = arith.constant 0 : index
    %get3A_0 = arith.constant 0 : index
    %get3A_1 = arith.constant 0 : index
    %get3A_2 = vector.load %arg0[%get3A, %get3A_0, %get3A_1] : memref<2x10240x128xf32, #tpu.memory_space<vmem>>, vector<1x10240x128xf32>
    %get3A_3 = vector.shape_cast %get3A_2 : vector<1x10240x128xf32> to vector<10240x128xf32>
    %get3A_4 = arith.constant 1 : index
    %get3A_5 = arith.constant 0 : index
    %get3A_6 = arith.constant 0 : index
    %get3A_7 = vector.load %arg0[%get3A_4, %get3A_5, %get3A_6] : memref<2x10240x128xf32, #tpu.memory_space<vmem>>, vector<1x10240x128xf32>
    %get3A_8 = vector.shape_cast %get3A_7 : vector<1x10240x128xf32> to vector<10240x128xf32>
    %add3A = arith.addf %get3A_3, %get3A_8 : vector<10240x128xf32>
    %get3A_9 = arith.constant 0 : index
    %get3A_10 = arith.constant 0 : index
    %get3A_11 = vector.load %arg1[%get3A_9, %get3A_10] : memref<128x128xf32, #tpu.memory_space<vmem>>, vector<128x128xf32>
    %dot_general3A = arith.constant dense<0.000000e+00> : vector<10240x128xf32>
    %dot_general3A_12 = tpu.matmul %add3A, %get3A_11, %dot_general3A {dimension_numbers = #tpu.dot_dimension_numbers<[1], [0], [0], [1], [0, 0, 1, 1], [], []>, transpose_lhs_hint = false} : vector<10240x128xf32>, vector<128x128xf32>, vector<10240x128xf32> -> vector<10240x128xf32>
    %get3A_13 = arith.constant 0 : index
    %get3A_14 = arith.constant 0 : index
    %get3A_15 = vector.load %arg2[%get3A_13, %get3A_14] : memref<1x128xf32, #tpu.memory_space<vmem>>, vector<1x128xf32>
    %add3A_16 = vector.broadcast %get3A_15 : vector<1x128xf32> to vector<10240x128xf32>
    %add3A_17 = arith.addf %dot_general3A_12, %add3A_16 : vector<10240x128xf32>
    %max3A = arith.constant 0.000000e+00 : f32
    %max3A_18 = vector.broadcast %max3A : f32 to vector<10240x128xf32>
    %max3A_19 = arith.maximumf %add3A_17, %max3A_18 : vector<10240x128xf32>
    %swap3A = arith.constant 0 : index
    %swap3A_20 = arith.constant 0 : index
    %swap3A_21 = vector.load %arg3[%swap3A, %swap3A_20] : memref<10240x128xf32, #tpu.memory_space<vmem>>, vector<10240x128xf32>
    tpu.vector_store %arg3[%swap3A, %swap3A_20], %max3A_19 {strides = array<i32>} : memref<10240x128xf32, #tpu.memory_space<vmem>>, vector<10240x128xf32>,
    return
  }
}

module attributes {stable_mosaic.version = 14 : i64} {
  func.func @_node2_body(%arg0: memref<2x10240x128xf32, #tpu.memory_space<vmem>>, %arg1: memref<128x128xf32, #tpu.memory_space<vmem>>, %arg2: memref<1x128xf32, #tpu.memory_space<vmem>>, %arg3: memref<128x128xf32, #tpu.memory_space<vmem>>, %arg4: memref<128x128xf32, #tpu.memory_space<vmem>>, %arg5: memref<1x128xf32, #tpu.memory_space<vmem>>, %arg6: memref<10240x128xf32, #tpu.memory_space<vmem>>, %arg7: memref<10240x128xf32, #tpu.memory_space<vmem>>) attributes {dimension_semantics = [], scalar_prefetch = 0 : i64, scratch_operands = 0 : i64, tpu.core_type = #tpu.core_type<tc>} {
    %get3A = arith.constant 0 : index
    %get3A_0 = arith.constant 0 : index
    %get3A_1 = arith.constant 0 : index
    %get3A_2 = vector.load %arg0[%get3A, %get3A_0, %get3A_1] : memref<2x10240x128xf32, #tpu.memory_space<vmem>>, vector<1x10240x128xf32>
    %get3A_3 = vector.shape_cast %get3A_2 : vector<1x10240x128xf32> to vector<10240x128xf32>
    %get3A_4 = arith.constant 1 : index
    %get3A_5 = arith.constant 0 : index
    %get3A_6 = arith.constant 0 : index
    %get3A_7 = vector.load %arg0[%get3A_4, %get3A_5, %get3A_6] : memref<2x10240x128xf32, #tpu.memory_space<vmem>>, vector<1x10240x128xf32>
    %get3A_8 = vector.shape_cast %get3A_7 : vector<1x10240x128xf32> to vector<10240x128xf32>
    %add3A = arith.addf %get3A_3, %get3A_8 : vector<10240x128xf32>
    %get3A_9 = arith.constant 0 : index
    %get3A_10 = arith.constant 0 : index
    %get3A_11 = vector.load %arg1[%get3A_9, %get3A_10] : memref<128x128xf32, #tpu.memory_space<vmem>>, vector<128x128xf32>
    %dot_general3A = arith.constant dense<0.000000e+00> : vector<10240x128xf32>
    %dot_general3A_12 = tpu.matmul %add3A, %get3A_11, %dot_general3A {dimension_numbers = #tpu.dot_dimension_numbers<[1], [0], [0], [1], [0, 0, 1, 1], [], []>, transpose_lhs_hint = false} : vector<10240x128xf32>, vector<128x128xf32>, vector<10240x128xf32> -> vector<10240x128xf32>
    %get3A_13 = arith.constant 0 : index
    %get3A_14 = arith.constant 0 : index
    %get3A_15 = vector.load %arg2[%get3A_13, %get3A_14] : memref<1x128xf32, #tpu.memory_space<vmem>>, vector<1x128xf32>
    %add3A_16 = vector.broadcast %get3A_15 : vector<1x128xf32> to vector<10240x128xf32>
    %add3A_17 = arith.addf %dot_general3A_12, %add3A_16 : vector<10240x128xf32>
    %max3A = arith.constant 0.000000e+00 : f32
    %max3A_18 = vector.broadcast %max3A : f32 to vector<10240x128xf32>
    %max3A_19 = arith.maximumf %add3A_17, %max3A_18 : vector<10240x128xf32>
    %get3A_20 = arith.constant 0 : index
    %get3A_21 = arith.constant 0 : index
    %get3A_22 = vector.load %arg3[%get3A_20, %get3A_21] : memref<128x128xf32, #tpu.memory_space<vmem>>, vector<128x128xf32>
    %dot_general3A_23 = arith.constant dense<0.000000e+00> : vector<10240x128xf32>
    %dot_general3A_24 = tpu.matmul %max3A_19, %get3A_22, %dot_general3A_23 {dimension_numbers = #tpu.dot_dimension_numbers<[1], [0], [0], [1], [0, 0, 1, 1], [], []>, transpose_lhs_hint = false} : vector<10240x128xf32>, vector<128x128xf32>, vector<10240x128xf32> -> vector<10240x128xf32>
    %swap3A = arith.constant 0 : index
    %swap3A_25 = arith.constant 0 : index
    %swap3A_26 = vector.load %arg6[%swap3A, %swap3A_25] : memref<10240x128xf32, #tpu.memory_space<vmem>>, vector<10240x128xf32>
    tpu.vector_store %arg6[%swap3A, %swap3A_25], %dot_general3A_24 {strides = array<i32>} : memref<10240x128xf32, #tpu.memory_space<vmem>>, vector<10240x128xf32>,
    %get3A_27 = arith.constant 0 : index
    %get3A_28 = arith.constant 0 : index
    %get3A_29 = vector.load %arg4[%get3A_27, %get3A_28] : memref<128x128xf32, #tpu.memory_space<vmem>>, vector<128x128xf32>
    %dot_general3A_30 = arith.constant dense<0.000000e+00> : vector<10240x128xf32>
    %dot_general3A_31 = tpu.matmul %max3A_19, %get3A_29, %dot_general3A_30 {dimension_numbers = #tpu.dot_dimension_numbers<[1], [0], [0], [1], [0, 0, 1, 1], [], []>, transpose_lhs_hint = false} : vector<10240x128xf32>, vector<128x128xf32>, vector<10240x128xf32> -> vector<10240x128xf32>
    %get3A_32 = arith.constant 0 : index
    %get3A_33 = arith.constant 0 : index
    %get3A_34 = vector.load %arg5[%get3A_32, %get3A_33] : memref<1x128xf32, #tpu.memory_space<vmem>>, vector<1x128xf32>
    %add3A_35 = vector.broadcast %get3A_34 : vector<1x128xf32> to vector<10240x128xf32>
    %add3A_36 = arith.addf %dot_general3A_31, %add3A_35 : vector<10240x128xf32>
    %swap3A_37 = arith.constant 0 : index
    %swap3A_38 = arith.constant 0 : index
    %swap3A_39 = vector.load %arg7[%swap3A_37, %swap3A_38] : memref<10240x128xf32, #tpu.memory_space<vmem>>, vector<10240x128xf32>
    tpu.vector_store %arg7[%swap3A_37, %swap3A_38], %add3A_36 {strides = array<i32>} : memref<10240x128xf32, #tpu.memory_space<vmem>>, vector<10240x128xf32>,
    return
  }
}

module attributes {stable_mosaic.version = 14 : i64} {
  func.func @_pred_body(%arg0: i32, %arg1: memref<2000x128xf32, #tpu.memory_space<vmem>>, %arg2: memref<2000x128xf32, #tpu.memory_space<vmem>>, %arg3: memref<128x128xf32, #tpu.memory_space<vmem>>, %arg4: memref<1x128xf32, #tpu.memory_space<vmem>>, %arg5: memref<1x1xf32, #tpu.memory_space<vmem>>, %arg6: memref<2000x1xf32, #tpu.memory_space<vmem>>) attributes {dimension_semantics = [#tpu.dimension_semantics<arbitrary>], iteration_bounds = array<i64: 160>, scalar_prefetch = 0 : i64, scratch_operands = 0 : i64, tpu.core_type = #tpu.core_type<tc>, window_params = [{transform_indices = @transform_0, window_bounds = array<i64: 2000, 128>}, {transform_indices = @transform_1, window_bounds = array<i64: 2000, 128>}, {pipeline_mode = #tpu.pipeline_mode<synchronous>, transform_indices = @transform_2, window_bounds = array<i64: 128, 128>}, {pipeline_mode = #tpu.pipeline_mode<synchronous>, transform_indices = @transform_3, window_bounds = array<i64: 1, 128>}, {pipeline_mode = #tpu.pipeline_mode<synchronous>, transform_indices = @transform_4, window_bounds = array<i64: 1, 1>}, {transform_indices = @transform_5, window_bounds = array<i64: 2000, 1>}]} {
    %get3A = arith.constant 0 : index
    %get3A_0 = arith.constant 0 : index
    %get3A_1 = vector.load %arg1[%get3A, %get3A_0] : memref<2000x128xf32, #tpu.memory_space<vmem>>, vector<2000x128xf32>
    %get3A_2 = arith.constant 0 : index
    %get3A_3 = arith.constant 0 : index
    %get3A_4 = vector.load %arg2[%get3A_2, %get3A_3] : memref<2000x128xf32, #tpu.memory_space<vmem>>, vector<2000x128xf32>
    %get3A_5 = arith.constant 0 : index
    %get3A_6 = arith.constant 0 : index
    %get3A_7 = vector.load %arg3[%get3A_5, %get3A_6] : memref<128x128xf32, #tpu.memory_space<vmem>>, vector<128x128xf32>
    %dot_general3A = arith.constant dense<0.000000e+00> : vector<2000x128xf32>
    %dot_general3A_8 = tpu.matmul %get3A_4, %get3A_7, %dot_general3A {dimension_numbers = #tpu.dot_dimension_numbers<[1], [0], [0], [1], [0, 0, 1, 1], [], []>, transpose_lhs_hint = false} : vector<2000x128xf32>, vector<128x128xf32>, vector<2000x128xf32> -> vector<2000x128xf32>
    %add3A = arith.addf %get3A_1, %dot_general3A_8 : vector<2000x128xf32>
    %max3A = arith.constant 0.000000e+00 : f32
    %max3A_9 = vector.broadcast %max3A : f32 to vector<2000x128xf32>
    %max3A_10 = arith.maximumf %add3A, %max3A_9 : vector<2000x128xf32>
    %get3A_11 = arith.constant 0 : index
    %get3A_12 = arith.constant 0 : index
    %get3A_13 = vector.load %arg4[%get3A_11, %get3A_12] : memref<1x128xf32, #tpu.memory_space<vmem>>, vector<1x128xf32>
    %mul3A = vector.broadcast %get3A_13 : vector<1x128xf32> to vector<2000x128xf32>
    %mul3A_14 = arith.mulf %max3A_10, %mul3A : vector<2000x128xf32>
    %reduce_sum3A = arith.constant dense<0.000000e+00> : vector<2000xf32>
    %reduce_sum3A_15 = vector.multi_reduction <add>, %mul3A_14, %reduce_sum3A [1] : vector<2000x128xf32> to vector<2000xf32>
    %broadcast_in_dim3A = vector.shape_cast %reduce_sum3A_15 : vector<2000xf32> to vector<2000x1xf32>
    %get3A_16 = arith.constant 0 : index
    %get3A_17 = arith.constant 0 : index
    %get3A_18 = vector.load %arg5[%get3A_16, %get3A_17] : memref<1x1xf32, #tpu.memory_space<vmem>>, vector<1x1xf32>
    %add3A_19 = vector.broadcast %get3A_18 : vector<1x1xf32> to vector<2000x1xf32>
    %add3A_20 = arith.addf %broadcast_in_dim3A, %add3A_19 : vector<2000x1xf32>
    %logistic3A = arith.negf %add3A_20 : vector<2000x1xf32>
    %logistic3A_21 = math.exp %logistic3A : vector<2000x1xf32>
    %logistic3A_22 = arith.constant 1.000000e+00 : f32
    %logistic3A_23 = vector.broadcast %logistic3A_22 : f32 to vector<2000x1xf32>
    %logistic3A_24 = arith.addf %logistic3A_23, %logistic3A_21 : vector<2000x1xf32>
    %logistic3A_25 = arith.divf %logistic3A_23, %logistic3A_24 : vector<2000x1xf32>
    %swap3A = arith.constant 0 : index
    %swap3A_26 = arith.constant 0 : index
    %swap3A_27 = vector.load %arg6[%swap3A, %swap3A_26] : memref<2000x1xf32, #tpu.memory_space<vmem>>, vector<2000x1xf32>
    tpu.vector_store %arg6[%swap3A, %swap3A_26], %logistic3A_25 {strides = array<i32>} : memref<2000x1xf32, #tpu.memory_space<vmem>>, vector<2000x1xf32>,
    return
  }
  func.func @transform_0(%arg0: i32) -> (i32, i32) {
    %c0_i32 = arith.constant 0 : i32
    %c0_i32_0 = arith.constant 0 : i32
    return %arg0, %c0_i32 : i32, i32
  }
  func.func @transform_1(%arg0: i32) -> (i32, i32) {
    %c0_i32 = arith.constant 0 : i32
    %c0_i32_0 = arith.constant 0 : i32
    return %arg0, %c0_i32 : i32, i32
  }
  func.func @transform_2(%arg0: i32) -> (i32, i32) {
    %c0_i32 = arith.constant 0 : i32
    %c0_i32_0 = arith.constant 0 : i32
    %c0_i32_1 = arith.constant 0 : i32
    return %c0_i32, %c0_i32_0 : i32, i32
  }
  func.func @transform_3(%arg0: i32) -> (i32, i32) {
    %c0_i32 = arith.constant 0 : i32
    %c0_i32_0 = arith.constant 0 : i32
    %c0_i32_1 = arith.constant 0 : i32
    return %c0_i32, %c0_i32_0 : i32, i32
  }
  func.func @transform_4(%arg0: i32) -> (i32, i32) {
    %c0_i32 = arith.constant 0 : i32
    %c0_i32_0 = arith.constant 0 : i32
    %c0_i32_1 = arith.constant 0 : i32
    return %c0_i32, %c0_i32_0 : i32, i32
  }
  func.func @transform_5(%arg0: i32) -> (i32, i32) {
    %c0_i32 = arith.constant 0 : i32
    %c0_i32_0 = arith.constant 0 : i32
    return %arg0, %c0_i32 : i32, i32
  }
}

</mosaic_0001>

<sc_bundles>
// kernel: kernel.12.cloned.1.call-start
scs
__scs_entry_jumppad:
0x0: {  	(pc) =	sbr.rel $0x88, $3  }
0x1: {  	(tag) =	ssettag $0x0;
	lr =	simm.s32 $0x1  }
0x2: {  	[smem:$0x3F8D] =	sst lr;
	_ =	strace $0xD0000000  }
0x3: {  	_ = 	snop  }
0x4: {  	_ = 	snop  }
0x5: {  	_ = 	snop  }
0x6: {  	_ = 	snop  }
0x7: {  	_ = 	snop  }
__scs_overlays_trampoline_lowered:
0x8: {  	[smem:$0x3F9C] =	sst s0  }
0x9: {  	[smem:$0x3F9D] =	sst s1  }
0xa: {  	[smem:$0x3F9E] =	sst s2  }
0xb: {  	[smem:$0x3F9F] =	sst s3  }
0xc: {  	[smem:$0x3FA0] =	sst s4  }
0xd: {  	[smem:$0x3FA1] =	sst s5  }
0xe: {  	[smem:$0x3FA2] =	sst s6  }
0xf: {  	[smem:$0x3FA3] =	sst s7  }
0x10: {  	[smem:$0x3FA4] =	sst s8  }
0x11: {  	[smem:$0x3FA5] =	sst s9;
	s0 =	simm.s32 @!p0 $0x0  }
0x12: {  	s1 =	sld [smem:$0x3F8B];
	s0 =	simm.s32 @p0 $0x1  }
0x13: {  	[smem:$0x3FA6] =	sst s0;
	s0 =	simm.s32 @!p1 $0x0  }
0x14: {  	s2 =	sld [smem:$0x3F8A];
	s0 =	simm.s32 @p1 $0x1  }
0x15: {  	[smem:$0x3FA7] =	sst s0;
	s0 =	simm.s32 @!p2 $0x0  }
0x16: {  	s3 =	sld [smem:$0x3FDB];
	s0 =	simm.s32 @p2 $0x1  }
0x17: {  	s4 =	simm.s32 $0x1BF5;
	[smem:$0x3FA9] =	sst s0  }
0x18: {  	s0 =	sld [smem:$0x3F8C];
	_ =	swait.ge [sflag:s4], $0x0  }
0x19: {  	s7 =	sld [smem:$0x3F8D]  }
0x1a: {  	s8 =	sadd.s32 $0xFFFFE003, lr  }
0x1b: {  	s9 =	sadd.s32 $0xFFFFFEF7, lr;
	s5 =	simm.s32 $0xFFFFFFFF;
	p2 =	slt.u32 s8, $0xFFFFF086  }
0x1c: {  	p1 =	slt.u32 s9, $0xF7A;
	s5 =	simm.s32 @!p2 $0x0  }
0x1d: {  	s5 =	simm.s32 @p1 $0x1;
	p0 =	seq.s32 s7, s2  }
0x1e: {  	s7 =	smul.u32 @!p0 $0xF7A, s2;
	p2 =	seq.s32 @!p0 s5, $0x0  }
0x1f: {  	s9 =	smul.u32 $0xF7A, s1;
	s8 =	simm.s32 @!p0 $0x1BF5;
	p2 =	por !p2, p0  }
0x20: {  	[sflag:s8] =	ssyncset.s32 @!p0 $0xFFFFF086;
	s6 =	sadd.s32 @!p0 s3, s7;
	s7 =	simm.s32 @!p0 $0x108  }
0x21: {  	s3 =	sadd.s32 s3, s9;
	s6 =	sadd.s32 @!p0 $0x88, s6;
	s7 =	simm.s32 @p2 $0x1082  }
0x22: {  	[simem:s7], [sflag:s8] =	dma.local @!p0 [hbm:s6], $0xF7A  }
0x23: {  	s9 =	sor.u32 $0xD0000000, s2;
	s6 =	simm.s32 $0x108;
	_ =	swait.ge @!p0 [sflag:s8], $0x0  }
0x24: {  	s3 =	sadd.s32 $0x88, s3;
	s6 =	simm.s32 @!p1 $0x1082;
	[sflag:s4] =	ssyncset.s32 $0xFFFFF086  }
0x25: {  	[simem:s6], [sflag:s4] =	dma.local [hbm:s3], $0xF7A  }
0x26: {  	[smem:$0x3F8D] =	sst s1;
	(tag) =	ssettag s2;
	_ =	strace s9  }
0x27: {  	s1 =	sld [smem:$0x3F9D]  }
0x28: {  	s2 =	sld [smem:$0x3F9E]  }
0x29: {  	s4 =	sld [smem:$0x3FA0]  }
0x2a: {  	p0 =	seq.s32 s5, $0x0;
	s5 =	sld [smem:$0x3FA1]  }
0x2b: {  	s6 =	sld [smem:$0x3FA2]  }
0x2c: {  	s7 =	sld [smem:$0x3FA3]  }
0x2d: {  	s3 =	simm.s32 $0x108;
	s8 =	sld [smem:$0x3FA4]  }
0x2e: {  	s3 =	simm.s32 @!p0 $0x1082;
	s9 =	sld [smem:$0x3FA5]  }
0x2f: {  	lr =	sadd.s32 s0, s3;
	s0 =	sld [smem:$0x3F9C]  }
0x30: {  	s3 =	sld [smem:$0x3F9F]  }
0x31: {  	[smem:$0x3FA8] =	sst s10  }
0x32: {  	s10 =	sld [smem:$0x3FA6];
	_ =	sdelay $0x3  }
0x33: {  	p0 =	seq.s32 s10, $0x1;
	s10 =	sld [smem:$0x3FA8];
	_ =	sdelay $0x3  }
0x34: {  	[smem:$0x3FA8] =	sst s10  }
0x35: {  	s10 =	sld [smem:$0x3FA7];
	_ =	sdelay $0x3  }
0x36: {  	p1 =	seq.s32 s10, $0x1;
	s10 =	sld [smem:$0x3FA8];
	_ =	sdelay $0x3  }
0x37: {  	[smem:$0x3FA8] =	sst s10  }
0x38: {  	s10 =	sld [smem:$0x3FA9]  }
0x39: {  	_ = 	snop;
	(pc) =	sbr.ind lr, $3  }
0x3a: {  	_ = 	snop  }
0x3b: {  	_ = 	snop  }
0x3c: {  	p2 =	seq.s32 s10, $0x1;
	s10 =	sld [smem:$0x3FA8]  }
0x3d: {  	_ =	shalt  }
0x3e: {  	_ =	shalt  }
0x3f: {  	_ =	shalt  }
0x40: {  	_ =	shalt  }
0x41: {  	_ =	shalt  }
0x42: {  	_ =	shalt  }
0x43: {  	_ =	shalt  }
0x44: {  	_ =	shalt  }
0x45: {  	_ =	shalt  }
0x46: {  	_ =	shalt  }
0x47: {  	_ =	shalt  }
0x48: {  	_ =	shalt  }
0x49: {  	_ =	shalt  }
0x4a: {  	_ =	shalt  }
0x4b: {  	_ =	shalt  }
0x4c: {  	_ =	shalt  }
0x4d: {  	_ =	shalt  }
0x4e: {  	_ =	shalt  }
0x4f: {  	_ =	shalt  }
0x50: {  	_ =	shalt  }
0x51: {  	_ =	shalt  }
0x52: {  	_ =	shalt  }
0x53: {  	_ =	shalt  }
0x54: {  	_ =	shalt  }
0x55: {  	_ =	shalt  }
0x56: {  	_ =	shalt  }
0x57: {  	_ =	shalt  }
0x58: {  	_ =	shalt  }
0x59: {  	_ =	shalt  }
0x5a: {  	_ =	shalt  }
0x5b: {  	_ =	shalt  }
0x5c: {  	_ =	shalt  }
0x5d: {  	_ =	shalt  }
0x5e: {  	_ =	shalt  }
0x5f: {  	_ =	shalt  }
0x60: {  	_ =	shalt  }
0x61: {  	_ =	shalt  }
0x62: {  	_ =	shalt  }
0x63: {  	_ =	shalt  }
0x64: {  	_ =	shalt  }
0x65: {  	_ =	shalt  }
0x66: {  	_ =	shalt  }
0x67: {  	_ =	shalt  }
0x68: {  	_ =	shalt  }
0x69: {  	_ =	shalt  }
0x6a: {  	_ =	shalt  }
0x6b: {  	_ =	shalt  }
0x6c: {  	_ =	shalt  }
0x6d: {  	_ =	shalt  }
0x6e: {  	_ =	shalt  }
0x6f: {  	_ =	shalt  }
0x70: {  	_ =	shalt  }
0x71: {  	_ =	shalt  }
0x72: {  	_ =	shalt  }
0x73: {  	_ =	shalt  }
0x74: {  	_ =	shalt  }
0x75: {  	_ =	shalt  }
0x76: {  	_ =	shalt  }
0x77: {  	_ =	shalt  }
0x78: {  	_ =	shalt  }
0x79: {  	_ =	shalt  }
0x7a: {  	_ =	shalt  }
0x7b: {  	_ =	shalt  }
0x7c: {  	_ =	shalt  }
0x7d: {  	_ =	shalt  }
0x7e: {  	_ =	shalt  }
0x7f: {  	_ =	shalt  }
0x80: {  	_ =	shalt  }
0x81: {  	_ =	shalt  }
0x82: {  	_ =	shalt  }
0x83: {  	_ =	shalt  }
0x84: {  	_ =	shalt  }
0x85: {  	_ =	shalt  }
0x86: {  	_ =	shalt  }
0x87: {  	_ =	shalt  }
.Lfunc_end0:
.L_simem_size_0:
called_computation.1_lowered:
.L_overlay_start_0:
0x88: {  	s2 =	sld [smem:$0x3FD9]  }
0x89: {  	s3 =	sld [smem:$0x3FFE];
	_ =	sdelay $0x1  }
0x8a: {  	s1 =	srdreg.scid  }
0x8b: {  	s0 =	sand.u32 $0x1, s1  }
0x8c: {  	s16 =	sshll.u32 s0, $0xA;
	s2 =	sadd.s32 s3, s2  }
0x8d: {  	s2 =	sadd.s32 s2, s16  }
0x8e: {  	[smem:$0x3FB4] =	sst s2  }
0x8f: {  	_ = 	snop  }
0x90: {  	(tm) =	ssettm $0x1  }
0x91: {  	s17 =	sld [smem:$0x3FFB];
	_ =	sdelay $0x3  }
0x92: {  	_ =	strace s17  }
0x93: {  	s2 =	sld [smem:$0x3FFC];
	_ =	sdelay $0x3  }
0x94: {  	_ =	strace s2  }
0x95: {  	s2 =	sld [smem:$0x3FFD];
	_ =	sdelay $0x3  }
0x96: {  	_ =	strace s2  }
0x97: {  	_ =	strace $0x8FFFFFFF  }
0x98: {  	s18 =	sld [smem:$0x3FDB];
	_ =	sdelay $0x1  }
0x99: {  	s19 =	simm.s32 $_scs_section_size  }
0x9a: {  	s4 =	simm.s32 $_size__tile_overlayer_lowered;
	s5 =	simm.s32 $_tile_overlayer_lowered  }
0x9b: {  	s22 =	simm.s32 $0x1BFF;
	s21 =	sshll.u32 s5, $0x1;
	s2 =	sadd.s32 s19, s18  }
0x9c: {  	s6 =	simm.s32 $0x0;
	s20 =	sshll.u32 s4, $0x1;
	s4 =	sadd.s32 s21, s2  }
0x9d: {  	[timem:s6], [sflag:s22] =	dma.local [hbm:s4], s20  }
0x9e: {  	_ =	swait.ge [sflag:s22], s20  }
0x9f: {  	s3 =	ssub.s32 $0x0, s20;
	[sflag:s22] =	ssyncset.done $0x0  }
0xa0: {  	[sflag:s22] =	ssyncadd.s32 s3;
	_ =	sdelay $0x1  }
0xa1: {  	s23 =	simm.s32 $0x1B8B  }
0xa2: {  	_ =	swait.ge [sflag:s23], $0x1  }
0xa3: {  	[sflag:s23] =	ssyncset.done $0x0  }
0xa4: {  	s25 =	simm.s32 $0x1B8E;
	s24 =	sld [smem:$0x3FFE];
	[sflag:s23] =	ssyncadd.s32 $0xFFFFFFFF  }
0xa5: {  	s26 =	simm.s32 $execute0_lowered;
	[smem:$0x3FD2] =	sst s25  }
0xa6: {  	s4 =	sshll.u32 s26, $0x1;
	_ =	strace $0x80000049;
	[dreg:$0x1] =	wrdreg $0xFFFFFFFF  }
0xa7: {  	s28 =	simm.s32 $_size_execute0_lowered;
	s2 =	sadd.s32 s2, s4;
	[dreg:$0x0] =	wrdreg $0x0  }
0xa8: {  	s4 =	sshll.u32 s28, $0x1;
	[dreg:$0x2] =	wrdreg s2  }
0xa9: {  	[dreg:$0x3] =	wrdreg s4  }
0xaa: {  	[dreg:$0x4] =	wrdreg $0xC0  }
0xab: {  	_ =	task [dreg:s6], $0x5FFFF  }
0xac: {  	[dreg:$0x1] =	wrdreg $0xFFFFFFFF  }
0xad: {  	[dreg:$0x0] =	wrdreg $0x60  }
0xae: {  	[dreg:$0x2] =	wrdreg s24  }
0xaf: {  	[dreg:$0x3] =	wrdreg $0x51000  }
0xb0: {  	[dreg:$0x4] =	wrdreg $0x9  }
0xb1: {  	_ =	task.clear_ibuf [dreg:s6], $0x5FFFF;
	_ =	strace $0x90000049  }
0xb2: {  	s29 =	simm.s32 $0x9;
	_ =	strace $0x8000004B  }
0xb3: {  	_ =	swait.ge [sflag:s29], $0x1  }
0xb4: {  	[sflag:s29] =	ssyncadd.s32 $0xFFFFFFFF  }
0xb5: {  	_ =	strace $0x9000004B  }
0xb6: {  	_ =	sfence  }
0xb7: {  	s30 =	sld [smem:$0x0];
	_ =	sdelay $0x2  }
0xb8: {  	s31 =	sshll.u32 s1, $0xD;
	s1 =	sshrl.u32 s1, $0x2  }
0xb9: {  	s3 =	sand.u32 $0x4000, s31;
	s1 =	sadd.s32 s1, s30  }
0xba: {  	s0 =	sor.u32 s3, s0;
	s1 =	sshll.u32 s1, $0x11  }
0xbb: {  	s0 =	sor.u32 s1, s0  }
0xbc: {  	s0 =	sadd.s32 $0x8F2B, s0  }
0xbd: {  	[sflag:s0] =	ssyncadd.remote.s32 $0x1  }
0xbe: {  	_ =	sfence.sel $0xFFFF  }
0xbf: {  	[dreg:$0x0] =	wrdreg $0xFFFFFFFF;
	(pc) =	sbr.abs _section_cstart, $3  }
0xc0: {  	[dreg:$0x1] =	wrdreg $0xFFFFFFFF  }
0xc1: {  	_ =	task.clear_ibuf [dreg:s6], $0x2FFFF;
	_ =	strace $0x9FFFFFFF  }
0xc2: {  	(tm) =	ssettm $0x7FFFFFFF  }
0xc3: {  	_ =	shalt  }
tec
execute0_lowered:
.L_overlay_start_1:
0x0: {  	(tag) =	ssettag $0x1  }
0x1: {  	s0 =	srdreg.scid  }
0x2: {  	s5 =	rddreg [dreg:$0x0];
	s1 =	stileid.u32  }
0x3: {  	s2 =	rddreg [dreg:$0x1];
	s3 =	simm.s32 $0x0;
	s8 =	smul.u32 $0x2710, s1  }
0x4: {  	s14 =	simm.s32 $0x80;
	s15 =	simm.s32 $0x100;
	s9 =	smul.u32 $0x14000, s1  }
0x5: {  	s16 =	simm.s32 $0x50;
	s17 =	simm.s32 $0x2900;
	s26 =	smul.u32 $0x50000, s1  }
0x6: {  	s18 =	simm.s32 $0x1;
	s6 =	sand.u32 $0x1, s0;
	s30 =	smul.u32 $0x27100, s1  }
0x7: {  	s19 =	simm.s32 $0x0;
	s0 =	rddreg [dreg:$0x2];
	s4 =	smul.u32 $0x271000, s6  }
0x8: {  	[smem:$0x7FF] =	sst s3;
	s31 =	sshll.u32 s1, $0x6;
	s7 =	smul.u32 $0x27100, s6  }
0x9: {  	_ =	strace $0x8000004A;
	s24 =	smul.u32 $0x140000, s6;
	s6 =	ssub.s32 $0x2, s6  }
0xa: {  	s25 =	sshrl.u32 s9, $0x3;
	s28 =	sshrl.u32 s6, $0x1;
	s29 =	sshrl.u32 s26, $0x2  }
0xb: {  	s7 =	sadd.s32 s8, s7;
	s10 =	sadd.s32 s4, s5;
	s4 =	sadd.s32 $0x2B600, s5  }
0xc: {  	s8 =	sadd.s32 s9, s24;
	s12 =	ssub.s32 s6, s28;
	s13 =	sadd.s32 s29, s2  }
0xd: {  	s6 =	sor.u32 $0x1C02, s31;
	s7 =	sshrl.u32 s7, $0x3;
	s8 =	sshrl.u32 s8, $0x3  }
0xe: {  	s9 =	sadd.s32 s30, s10;
	s11 =	sadd.s32 s7, s5;
	s7 =	sadd.s32 s25, s5  }
0xf: {  	s8 =	sadd.s32 s8, s5;
	s9 =	sadd.s32 $0x9DB200, s9;
	s5 =	sadd.s32 $0x3600, s7  }
0x10: {  	s7 =	sadd.s32 $0x53600, s8;
	s8 =	smax.u32 s12, $0x1;
	s10 =	sadd.s32 $0x4E5600, s11  }
0x11: {  	s11 =	sadd.s32 $0x4EF400, s11;
	s12 =	sshrl.u32 s13, $0x3;
	s13 =	simm.s32 $0x2  }
.LBB2_1:
0x12: {  	[spmem:s12], [sflag:s6] =	dma.local [hbm:s5], $0x2800  }
0x13: {  	_ =	swait.ge [sflag:s13], $0x2800  }
0x14: {  	[sflag:s13] =	ssyncset.done $0x0  }
0x15: {  	[sflag:s13] =	ssyncadd.s32 $0xFFFFD800  }
0x16: {  	s20 =	sadd.s32 $0x0, s11;
	[bflag:$0x0] =	sbarrier.arrive $0xFFFF  }
0x17: {  	[tilespmem:s3], [sflag:$0x2] =	stream.linear.gather [hbm4b:s20+s3], $0x50, $0x38;
	[tilespmem:$0x19100] =	vst v63  }
0x18: {  	_ =	swait.ge [sflag:s13], $0x50  }
0x19: {  	[sflag:s13] =	ssyncset.done $0x0  }
0x1a: {  	s31 =	sadd.s32 $0x0, s10;
	[sflag:s13] =	ssyncadd.s32 $0xFFFFFFB0  }
0x1b: {  	[tilespmem:s14], [sflag:$0x2] =	stream.linear.gather [hbm4b:s31+s3], $0x50, $0x38;
	[tilespmem:$0x19100] =	vst v63  }
0x1c: {  	_ =	swait.ge [sflag:s13], $0x50  }
0x1d: {  	[sflag:s13] =	ssyncset.done $0x0  }
0x1e: {  	[sflag:s13] =	ssyncadd.s32 $0xFFFFFFB0  }
0x1f: {  	[tilespmem:s15], [sflag:$0x2] =	stream.linear.gather [hbm4b:s9+s3], $0x2800, $0x38;
	[tilespmem:$0x19100] =	vst v63  }
0x20: {  	_ =	swait.ge [sflag:s13], $0x2800  }
0x21: {  	[sflag:s13] =	ssyncset.done $0x0  }
0x22: {  	[sflag:s13] =	ssyncadd.s32 $0xFFFFD800  }
0x23: {  	[tilespmem:s17], [sflag:$0x1] =	stream.indirect.gather [hbm4b:s4+s16], $0x80, s3, s16, $0xb8;
	[tilespmem:$0x19100] =	vst v63  }
0x24: {  	_ =	swait.ge [sflag:s18], $0x2800  }
0x25: {  	[sflag:s18] =	ssyncset.done $0x0  }
0x26: {  	[sflag:s18] =	ssyncadd.s32 $0xFFFFD800  }
0x27: {  	[spmem:s2] =	stream.indirect.scatter.add.f32 [tilespmem:s15], [sflag:$0x2], $0x80, s14, s16, $0xb8;
	[tilespmem:$0x19100] =	vst v63  }
0x28: {  	_ =	swait.ge [sflag:s13], $0x2800  }
0x29: {  	[sflag:s13] =	ssyncset.done $0x0  }
0x2a: {  	[sflag:s13] =	ssyncadd.s32 $0xFFFFD800  }
0x2b: {  	[spmem:s2] =	stream.indirect.scatter.add.f32 [tilespmem:s17], [sflag:$0x2], $0x80, s14, s16, $0xb8;
	[tilespmem:$0x19100] =	vst v63  }
0x2c: {  	s21 =	simm.s32 $0xA;
	_ =	swait.ge [sflag:s13], $0x2800  }
0x2d: {  	s22 =	simm.s32 $0x14;
	s20 =	sadd.s32 $0x500, s9;
	[sflag:s13] =	ssyncset.done $0x0  }
.LBB2_2:
0x2e: {  	s23 =	sadd.s32 s21, s11  }
0x2f: {  	[sflag:s13] =	ssyncadd.s32 $0xFFFFD800;
	s24 =	smov.u32 s22;
	s25 =	sadd.s32 $0xA, s22  }
0x30: {  	[tilespmem:s3], [sflag:$0x2] =	stream.linear.gather [hbm4b:s23+s3], $0x50, $0x38;
	[tilespmem:$0x19100] =	vst v63  }
0x31: {  	p0 =	sne.s32 s22, $0x4D8;
	_ =	swait.ge [sflag:s13], $0x50  }
0x32: {  	[sflag:s13] =	ssyncset.done $0x0  }
0x33: {  	s22 =	sadd.s32 s21, s10;
	s21 =	smov.u32 s24;
	[sflag:s13] =	ssyncadd.s32 $0xFFFFFFB0  }
0x34: {  	[tilespmem:s14], [sflag:$0x2] =	stream.linear.gather [hbm4b:s22+s3], $0x50, $0x38;
	[tilespmem:$0x19100] =	vst v63  }
0x35: {  	_ =	swait.ge [sflag:s13], $0x50  }
0x36: {  	[sflag:s13] =	ssyncset.done $0x0  }
0x37: {  	[sflag:s13] =	ssyncadd.s32 $0xFFFFFFB0  }
0x38: {  	[tilespmem:s15], [sflag:$0x2] =	stream.linear.gather [hbm4b:s20+s3], $0x2800, $0x38;
	[tilespmem:$0x19100] =	vst v63  }
0x39: {  	_ =	swait.ge [sflag:s13], $0x2800  }
0x3a: {  	[sflag:s13] =	ssyncset.done $0x0  }
0x3b: {  	[sflag:s13] =	ssyncadd.s32 $0xFFFFD800  }
0x3c: {  	[tilespmem:s17], [sflag:$0x1] =	stream.indirect.gather [hbm4b:s4+s16], $0x80, s3, s16, $0xb8;
	[tilespmem:$0x19100] =	vst v63  }
0x3d: {  	_ =	swait.ge [sflag:s18], $0x2800  }
0x3e: {  	[sflag:s18] =	ssyncset.done $0x0  }
0x3f: {  	[sflag:s18] =	ssyncadd.s32 $0xFFFFD800  }
0x40: {  	[spmem:s2] =	stream.indirect.scatter.add.f32 [tilespmem:s15], [sflag:$0x2], $0x80, s14, s16, $0xb8;
	[tilespmem:$0x19100] =	vst v63  }
0x41: {  	_ =	swait.ge [sflag:s13], $0x2800  }
.Ltmp0:
0x42: {  	[sflag:s13] =	ssyncset.done $0x0;
	(pc) =	sbr.rel @p0 .LBB2_2-.Ltmp0, $4  }
0x43: {  	[sflag:s13] =	ssyncadd.s32 $0xFFFFD800  }
0x44: {  	[spmem:s2] =	stream.indirect.scatter.add.f32 [tilespmem:s17], [sflag:$0x2], $0x80, s14, s16, $0xb8;
	[tilespmem:$0x19100] =	vst v63  }
0x45: {  	_ =	swait.ge [sflag:s13], $0x2800  }
0x46: {  	s22 =	smov.u32 s25;
	s20 =	sadd.s32 $0x500, s20;
	[sflag:s13] =	ssyncset.done $0x0  }
0x47: {  	s22 =	sadd.s32 s21, s11;
	[sflag:s13] =	ssyncadd.s32 $0xFFFFD800  }
0x48: {  	[tilespmem:s3], [sflag:$0x2] =	stream.linear.gather [hbm4b:s22+s3], $0x50, $0x38;
	[tilespmem:$0x19100] =	vst v63  }
0x49: {  	_ =	swait.ge [sflag:s13], $0x50  }
0x4a: {  	[sflag:s13] =	ssyncset.done $0x0  }
0x4b: {  	s31 =	sadd.s32 s21, s10;
	[sflag:s13] =	ssyncadd.s32 $0xFFFFFFB0  }
0x4c: {  	[tilespmem:s14], [sflag:$0x2] =	stream.linear.gather [hbm4b:s31+s3], $0x50, $0x38;
	[tilespmem:$0x19100] =	vst v63  }
0x4d: {  	_ =	swait.ge [sflag:s13], $0x50  }
0x4e: {  	[sflag:s13] =	ssyncset.done $0x0  }
0x4f: {  	[sflag:s13] =	ssyncadd.s32 $0xFFFFFFB0  }
0x50: {  	[tilespmem:s15], [sflag:$0x2] =	stream.linear.gather [hbm4b:s20+s3], $0x2800, $0x38;
	[tilespmem:$0x19100] =	vst v63  }
0x51: {  	_ =	swait.ge [sflag:s13], $0x2800  }
0x52: {  	[sflag:s13] =	ssyncset.done $0x0  }
0x53: {  	[sflag:s13] =	ssyncadd.s32 $0xFFFFD800  }
0x54: {  	[tilespmem:s17], [sflag:$0x1] =	stream.indirect.gather [hbm4b:s4+s16], $0x80, s3, s16, $0xb8;
	[tilespmem:$0x19100] =	vst v63  }
0x55: {  	_ =	swait.ge [sflag:s18], $0x2800  }
0x56: {  	[sflag:s18] =	ssyncset.done $0x0  }
0x57: {  	[sflag:s18] =	ssyncadd.s32 $0xFFFFD800  }
0x58: {  	[spmem:s2] =	stream.indirect.scatter.add.f32 [tilespmem:s15], [sflag:$0x2], $0x80, s14, s16, $0xb8;
	[tilespmem:$0x19100] =	vst v63  }
0x59: {  	_ =	swait.ge [sflag:s13], $0x2800  }
0x5a: {  	[sflag:s13] =	ssyncset.done $0x0  }
0x5b: {  	[sflag:s13] =	ssyncadd.s32 $0xFFFFD800  }
0x5c: {  	[spmem:s2] =	stream.indirect.scatter.add.f32 [tilespmem:s17], [sflag:$0x2], $0x80, s14, s16, $0xb8;
	[tilespmem:$0x19100] =	vst v63  }
0x5d: {  	_ =	swait.ge [sflag:s13], $0x2800  }
0x5e: {  	s19 =	sadd.s32 $0x1, s19;
	[sflag:s13] =	ssyncset.done $0x0  }
0x5f: {  	p0 =	sne.s32 s19, s8;
	[sflag:s13] =	ssyncadd.s32 $0xFFFFD800  }
.Ltmp1:
0x60: {  	[bflag:$0x0] =	sbarrier.arrive $0xFFFF;
	(pc) =	sbr.rel @p0 .LBB2_1-.Ltmp1, $4  }
0x61: {  	[hbm:s7], [sflag:s6] =	dma.local [spmem:s12], $0x2800  }
0x62: {  	_ =	swait.ge [sflag:s13], $0x2800  }
0x63: {  	[sflag:s13] =	ssyncset.done $0x0  }
0x64: {  	[sflag:s13] =	ssyncadd.s32 $0xFFFFD800  }
0x65: {  	_ =	sfence.sel $0x180000  }
0x66: {  	[bflag:$0x0] =	sbarrier.arrive $0xFFFF  }
0x67: {  	p0 =	sne.s32 s1, $0x0;
	_ =	strace $0x9000004A  }
0x68: {  	s0 =	sadd.s32 @!p0 $0x100000, s0;
	[bflag:$0x2] =	sbarrier.arrive $0xFFFF  }
0x69: {  	[sflag:s0] =	ssyncadd.tile.s32 @!p0 $0x1;
	_ =	shalt  }
.Lfunc_end2:
_tile_overlayer_lowered:
.L_overlay_start_2:
0x6a: {  	(tag) =	ssettag $0x2  }
0x6b: {  	s0 =	rddreg [dreg:$0x0];
	s2 =	stileid.u32  }
0x6c: {  	s1 =	rddreg [dreg:$0x1];
	p0 =	sne.s32 s2, $0x0  }
0x6d: {  	s3 =	rddreg [dreg:$0x2];
	[bflag:$0x3] =	sbarrier.arrive $0xFFFF;
	s2 =	simm.s32 @!p0 $0x1C02  }
0x6e: {  	[timem:s3], [sflag:s2] =	dma.local @!p0 [hbm:s0], s1  }
0x6f: {  	s0 =	simm.s32 @!p0 $0x2  }
0x70: {  	_ =	swait.ge @!p0 [sflag:s0], s1  }
0x71: {  	s1 =	ssub.s32 @!p0 $0x0, s1;
	[sflag:s0] =	ssyncset.done @!p0 $0x0  }
0x72: {  	[sflag:s0] =	ssyncadd.s32 @!p0 s1  }
0x73: {  	[bflag:$0x3] =	sbarrier.arrive $0xFFFF  }
0x74: {  	_ =	shalt  }

// kernel: kernel.15.cloned.1.call-start
scs
__scs_entry_jumppad:
0x0: {  	(pc) =	sbr.rel $0x88, $3  }
0x1: {  	(tag) =	ssettag $0x0;
	lr =	simm.s32 $0x1  }
0x2: {  	[smem:$0x3F8D] =	sst lr;
	_ =	strace $0xD0000000  }
0x3: {  	_ = 	snop  }
0x4: {  	_ = 	snop  }
0x5: {  	_ = 	snop  }
0x6: {  	_ = 	snop  }
0x7: {  	_ = 	snop  }
__scs_overlays_trampoline_lowered:
0x8: {  	[smem:$0x3F9C] =	sst s0  }
0x9: {  	[smem:$0x3F9D] =	sst s1  }
0xa: {  	[smem:$0x3F9E] =	sst s2  }
0xb: {  	[smem:$0x3F9F] =	sst s3  }
0xc: {  	[smem:$0x3FA0] =	sst s4  }
0xd: {  	[smem:$0x3FA1] =	sst s5  }
0xe: {  	[smem:$0x3FA2] =	sst s6  }
0xf: {  	[smem:$0x3FA3] =	sst s7  }
0x10: {  	[smem:$0x3FA4] =	sst s8  }
0x11: {  	[smem:$0x3FA5] =	sst s9;
	s0 =	simm.s32 @!p0 $0x0  }
0x12: {  	s1 =	sld [smem:$0x3F8B];
	s0 =	simm.s32 @p0 $0x1  }
0x13: {  	[smem:$0x3FA6] =	sst s0;
	s0 =	simm.s32 @!p1 $0x0  }
0x14: {  	s2 =	sld [smem:$0x3F8A];
	s0 =	simm.s32 @p1 $0x1  }
0x15: {  	[smem:$0x3FA7] =	sst s0;
	s0 =	simm.s32 @!p2 $0x0  }
0x16: {  	s3 =	sld [smem:$0x3FDB];
	s0 =	simm.s32 @p2 $0x1  }
0x17: {  	s4 =	simm.s32 $0x1BF5;
	[smem:$0x3FA9] =	sst s0  }
0x18: {  	s0 =	sld [smem:$0x3F8C];
	_ =	swait.ge [sflag:s4], $0x0  }
0x19: {  	s7 =	sld [smem:$0x3F8D]  }
0x1a: {  	s8 =	sadd.s32 $0xFFFFE003, lr  }
0x1b: {  	s9 =	sadd.s32 $0xFFFFFEF7, lr;
	s5 =	simm.s32 $0xFFFFFFFF;
	p2 =	slt.u32 s8, $0xFFFFF086  }
0x1c: {  	p1 =	slt.u32 s9, $0xF7A;
	s5 =	simm.s32 @!p2 $0x0  }
0x1d: {  	s5 =	simm.s32 @p1 $0x1;
	p0 =	seq.s32 s7, s2  }
0x1e: {  	s7 =	smul.u32 @!p0 $0xF7A, s2;
	p2 =	seq.s32 @!p0 s5, $0x0  }
0x1f: {  	s9 =	smul.u32 $0xF7A, s1;
	s8 =	simm.s32 @!p0 $0x1BF5;
	p2 =	por !p2, p0  }
0x20: {  	[sflag:s8] =	ssyncset.s32 @!p0 $0xFFFFF086;
	s6 =	sadd.s32 @!p0 s3, s7;
	s7 =	simm.s32 @!p0 $0x108  }
0x21: {  	s3 =	sadd.s32 s3, s9;
	s6 =	sadd.s32 @!p0 $0x88, s6;
	s7 =	simm.s32 @p2 $0x1082  }
0x22: {  	[simem:s7], [sflag:s8] =	dma.local @!p0 [hbm:s6], $0xF7A  }
0x23: {  	s9 =	sor.u32 $0xD0000000, s2;
	s6 =	simm.s32 $0x108;
	_ =	swait.ge @!p0 [sflag:s8], $0x0  }
0x24: {  	s3 =	sadd.s32 $0x88, s3;
	s6 =	simm.s32 @!p1 $0x1082;
	[sflag:s4] =	ssyncset.s32 $0xFFFFF086  }
0x25: {  	[simem:s6], [sflag:s4] =	dma.local [hbm:s3], $0xF7A  }
0x26: {  	[smem:$0x3F8D] =	sst s1;
	(tag) =	ssettag s2;
	_ =	strace s9  }
0x27: {  	s1 =	sld [smem:$0x3F9D]  }
0x28: {  	s2 =	sld [smem:$0x3F9E]  }
0x29: {  	s4 =	sld [smem:$0x3FA0]  }
0x2a: {  	p0 =	seq.s32 s5, $0x0;
	s5 =	sld [smem:$0x3FA1]  }
0x2b: {  	s6 =	sld [smem:$0x3FA2]  }
0x2c: {  	s7 =	sld [smem:$0x3FA3]  }
0x2d: {  	s3 =	simm.s32 $0x108;
	s8 =	sld [smem:$0x3FA4]  }
0x2e: {  	s3 =	simm.s32 @!p0 $0x1082;
	s9 =	sld [smem:$0x3FA5]  }
0x2f: {  	lr =	sadd.s32 s0, s3;
	s0 =	sld [smem:$0x3F9C]  }
0x30: {  	s3 =	sld [smem:$0x3F9F]  }
0x31: {  	[smem:$0x3FA8] =	sst s10  }
0x32: {  	s10 =	sld [smem:$0x3FA6];
	_ =	sdelay $0x3  }
0x33: {  	p0 =	seq.s32 s10, $0x1;
	s10 =	sld [smem:$0x3FA8];
	_ =	sdelay $0x3  }
0x34: {  	[smem:$0x3FA8] =	sst s10  }
0x35: {  	s10 =	sld [smem:$0x3FA7];
	_ =	sdelay $0x3  }
0x36: {  	p1 =	seq.s32 s10, $0x1;
	s10 =	sld [smem:$0x3FA8];
	_ =	sdelay $0x3  }
0x37: {  	[smem:$0x3FA8] =	sst s10  }
0x38: {  	s10 =	sld [smem:$0x3FA9]  }
0x39: {  	_ = 	snop;
	(pc) =	sbr.ind lr, $3  }
0x3a: {  	_ = 	snop  }
0x3b: {  	_ = 	snop  }
0x3c: {  	p2 =	seq.s32 s10, $0x1;
	s10 =	sld [smem:$0x3FA8]  }
0x3d: {  	_ =	shalt  }
0x3e: {  	_ =	shalt  }
0x3f: {  	_ =	shalt  }
0x40: {  	_ =	shalt  }
0x41: {  	_ =	shalt  }
0x42: {  	_ =	shalt  }
0x43: {  	_ =	shalt  }
0x44: {  	_ =	shalt  }
0x45: {  	_ =	shalt  }
0x46: {  	_ =	shalt  }
0x47: {  	_ =	shalt  }
0x48: {  	_ =	shalt  }
0x49: {  	_ =	shalt  }
0x4a: {  	_ =	shalt  }
0x4b: {  	_ =	shalt  }
0x4c: {  	_ =	shalt  }
0x4d: {  	_ =	shalt  }
0x4e: {  	_ =	shalt  }
0x4f: {  	_ =	shalt  }
0x50: {  	_ =	shalt  }
0x51: {  	_ =	shalt  }
0x52: {  	_ =	shalt  }
0x53: {  	_ =	shalt  }
0x54: {  	_ =	shalt  }
0x55: {  	_ =	shalt  }
0x56: {  	_ =	shalt  }
0x57: {  	_ =	shalt  }
0x58: {  	_ =	shalt  }
0x59: {  	_ =	shalt  }
0x5a: {  	_ =	shalt  }
0x5b: {  	_ =	shalt  }
0x5c: {  	_ =	shalt  }
0x5d: {  	_ =	shalt  }
0x5e: {  	_ =	shalt  }
0x5f: {  	_ =	shalt  }
0x60: {  	_ =	shalt  }
0x61: {  	_ =	shalt  }
0x62: {  	_ =	shalt  }
0x63: {  	_ =	shalt  }
0x64: {  	_ =	shalt  }
0x65: {  	_ =	shalt  }
0x66: {  	_ =	shalt  }
0x67: {  	_ =	shalt  }
0x68: {  	_ =	shalt  }
0x69: {  	_ =	shalt  }
0x6a: {  	_ =	shalt  }
0x6b: {  	_ =	shalt  }
0x6c: {  	_ =	shalt  }
0x6d: {  	_ =	shalt  }
0x6e: {  	_ =	shalt  }
0x6f: {  	_ =	shalt  }
0x70: {  	_ =	shalt  }
0x71: {  	_ =	shalt  }
0x72: {  	_ =	shalt  }
0x73: {  	_ =	shalt  }
0x74: {  	_ =	shalt  }
0x75: {  	_ =	shalt  }
0x76: {  	_ =	shalt  }
0x77: {  	_ =	shalt  }
0x78: {  	_ =	shalt  }
0x79: {  	_ =	shalt  }
0x7a: {  	_ =	shalt  }
0x7b: {  	_ =	shalt  }
0x7c: {  	_ =	shalt  }
0x7d: {  	_ =	shalt  }
0x7e: {  	_ =	shalt  }
0x7f: {  	_ =	shalt  }
0x80: {  	_ =	shalt  }
0x81: {  	_ =	shalt  }
0x82: {  	_ =	shalt  }
0x83: {  	_ =	shalt  }
0x84: {  	_ =	shalt  }
0x85: {  	_ =	shalt  }
0x86: {  	_ =	shalt  }
0x87: {  	_ =	shalt  }
.Lfunc_end0:
.L_simem_size_0:
called_computation.2_lowered:
.L_overlay_start_0:
0x88: {  	s2 =	sld [smem:$0x3FD9]  }
0x89: {  	s3 =	sld [smem:$0x3FFE];
	_ =	sdelay $0x1  }
0x8a: {  	s1 =	srdreg.scid  }
0x8b: {  	s0 =	sand.u32 $0x1, s1  }
0x8c: {  	s16 =	sshll.u32 s0, $0xA;
	s2 =	sadd.s32 s3, s2  }
0x8d: {  	s2 =	sadd.s32 s2, s16  }
0x8e: {  	[smem:$0x3FB4] =	sst s2  }
0x8f: {  	_ = 	snop  }
0x90: {  	(tm) =	ssettm $0x1  }
0x91: {  	s17 =	sld [smem:$0x3FFB];
	_ =	sdelay $0x3  }
0x92: {  	_ =	strace s17  }
0x93: {  	s2 =	sld [smem:$0x3FFC];
	_ =	sdelay $0x3  }
0x94: {  	_ =	strace s2  }
0x95: {  	s2 =	sld [smem:$0x3FFD];
	_ =	sdelay $0x3  }
0x96: {  	_ =	strace s2  }
0x97: {  	_ =	strace $0x8FFFFFFF  }
0x98: {  	s18 =	sld [smem:$0x3FDB];
	_ =	sdelay $0x1  }
0x99: {  	s19 =	simm.s32 $_scs_section_size  }
0x9a: {  	s4 =	simm.s32 $_size__tile_overlayer_lowered;
	s5 =	simm.s32 $_tile_overlayer_lowered  }
0x9b: {  	s22 =	simm.s32 $0x1BFF;
	s21 =	sshll.u32 s5, $0x1;
	s2 =	sadd.s32 s19, s18  }
0x9c: {  	s6 =	simm.s32 $0x0;
	s20 =	sshll.u32 s4, $0x1;
	s4 =	sadd.s32 s21, s2  }
0x9d: {  	[timem:s6], [sflag:s22] =	dma.local [hbm:s4], s20  }
0x9e: {  	_ =	swait.ge [sflag:s22], s20  }
0x9f: {  	s3 =	ssub.s32 $0x0, s20;
	[sflag:s22] =	ssyncset.done $0x0  }
0xa0: {  	[sflag:s22] =	ssyncadd.s32 s3;
	_ =	sdelay $0x1  }
0xa1: {  	s23 =	simm.s32 $0x1B8B  }
0xa2: {  	_ =	swait.ge [sflag:s23], $0x1  }
0xa3: {  	[sflag:s23] =	ssyncset.done $0x0  }
0xa4: {  	s25 =	simm.s32 $0x1B8E;
	s24 =	sld [smem:$0x3FFE];
	[sflag:s23] =	ssyncadd.s32 $0xFFFFFFFF  }
0xa5: {  	s26 =	simm.s32 $execute0_lowered;
	[smem:$0x3FD2] =	sst s25  }
0xa6: {  	s4 =	sshll.u32 s26, $0x1;
	_ =	strace $0x8000004C;
	[dreg:$0x1] =	wrdreg $0xFFFFFFFF  }
0xa7: {  	s28 =	simm.s32 $_size_execute0_lowered;
	s2 =	sadd.s32 s2, s4;
	[dreg:$0x0] =	wrdreg $0x0  }
0xa8: {  	s4 =	sshll.u32 s28, $0x1;
	[dreg:$0x2] =	wrdreg s2  }
0xa9: {  	[dreg:$0x3] =	wrdreg s4  }
0xaa: {  	[dreg:$0x4] =	wrdreg $0xC0  }
0xab: {  	_ =	task [dreg:s6], $0x5FFFF  }
0xac: {  	[dreg:$0x1] =	wrdreg $0xFFFFFFFF  }
0xad: {  	[dreg:$0x0] =	wrdreg $0x60  }
0xae: {  	[dreg:$0x2] =	wrdreg s24  }
0xaf: {  	[dreg:$0x3] =	wrdreg $0x9  }
0xb0: {  	_ =	task.clear_ibuf [dreg:s6], $0x4FFFF;
	_ =	strace $0x9000004C  }
0xb1: {  	s29 =	simm.s32 $0x9;
	_ =	strace $0x8000004E  }
0xb2: {  	_ =	swait.ge [sflag:s29], $0x1  }
0xb3: {  	[sflag:s29] =	ssyncadd.s32 $0xFFFFFFFF  }
0xb4: {  	_ =	strace $0x9000004E  }
0xb5: {  	_ =	sfence  }
0xb6: {  	s30 =	sld [smem:$0x0];
	_ =	sdelay $0x2  }
0xb7: {  	s31 =	sshll.u32 s1, $0xD;
	s1 =	sshrl.u32 s1, $0x2  }
0xb8: {  	s3 =	sand.u32 $0x4000, s31;
	s1 =	sadd.s32 s1, s30  }
0xb9: {  	s0 =	sor.u32 s3, s0;
	s1 =	sshll.u32 s1, $0x11  }
0xba: {  	s0 =	sor.u32 s1, s0  }
0xbb: {  	s0 =	sadd.s32 $0x8F2B, s0  }
0xbc: {  	[sflag:s0] =	ssyncadd.remote.s32 $0x1  }
0xbd: {  	_ =	sfence.sel $0xFFFF  }
0xbe: {  	[dreg:$0x0] =	wrdreg $0xFFFFFFFF;
	(pc) =	sbr.abs _section_cstart, $3  }
0xbf: {  	[dreg:$0x1] =	wrdreg $0xFFFFFFFF  }
0xc0: {  	_ =	task.clear_ibuf [dreg:s6], $0x2FFFF;
	_ =	strace $0x9FFFFFFF  }
0xc1: {  	(tm) =	ssettm $0x7FFFFFFF  }
tec
execute0_lowered:
.L_overlay_start_1:
0x0: {  	(tag) =	ssettag $0x1  }
0x1: {  	s7 =	rddreg [dreg:$0x0]  }
0x2: {  	s0 =	rddreg [dreg:$0x1];
	s1 =	simm.s32 $0x0;
	s3 =	srdreg.scid  }
0x3: {  	s11 =	simm.s32 $0x80;
	s12 =	simm.s32 $0x50;
	s13 =	simm.s32 $0x100  }
0x4: {  	s14 =	simm.s32 $0x2900;
	s15 =	simm.s32 $0x1;
	s16 =	simm.s32 $0x2  }
0x5: {  	s17 =	simm.s32 $0x0;
	[smem:$0x7FF] =	sst s1;
	s2 =	sadd.s32 $0x3600, s7  }
0x6: {  	s4 =	sadd.s32 $0x2B600, s7;
	s5 =	sadd.s32 $0x4EF400, s7;
	s6 =	sand.u32 $0x1, s3  }
0x7: {  	s3 =	stileid.u32;
	_ =	strace $0x8000004D;
	s8 =	ssub.s32 $0x2, s6  }
0x8: {  	s9 =	sshll.u32 s6, $0x4;
	s6 =	sadd.s32 $0x4E5600, s7;
	s10 =	sshrl.u32 s8, $0x1  }
0x9: {  	s7 =	sadd.s32 $0x4F9200, s7;
	s9 =	sor.u32 s3, s9;
	s10 =	ssub.s32 s8, s10  }
0xa: {  	s8 =	smul.u32 $0x2710, s9;
	s9 =	smax.u32 s10, $0x1;
	s10 =	simm.s32 $0x3  }
.LBB2_1:
0xb: {  	s18 =	simm.s32 $0x0  }
.LBB2_2:
0xc: {  	s19 =	smul.u32 $0x50, s18;
	_ =	sdelay $0x1  }
0xd: {  	s19 =	sadd.s32 s8, s19  }
0xe: {  	s20 =	sshrl.u32 s19, $0x3  }
0xf: {  	s22 =	simm.s32 $0x0;
	s21 =	sadd.s32 s5, s20  }
0x10: {  	[tilespmem:s22], [sflag:$0x3] =	stream.linear.gather [hbm4b:s21+s22], $0x50, $0x38;
	[tilespmem:$0x5100] =	vst v63  }
0x11: {  	_ =	swait.ge [sflag:s10], $0x50  }
0x12: {  	[sflag:s10] =	ssyncset.done $0x0  }
0x13: {  	s20 =	sadd.s32 s6, s20;
	[sflag:s10] =	ssyncadd.s32 $0xFFFFFFB0  }
0x14: {  	[tilespmem:s11], [sflag:$0x3] =	stream.linear.gather [hbm4b:s20+s22], $0x50, $0x38;
	[tilespmem:$0x5100] =	vst v63  }
0x15: {  	_ =	swait.ge [sflag:s10], $0x50  }
0x16: {  	[sflag:s10] =	ssyncset.done $0x0  }
0x17: {  	[sflag:s10] =	ssyncadd.s32 $0xFFFFFFB0  }
0x18: {  	[tilespmem:s13], [sflag:$0x1] =	stream.indirect.gather [hbm4b:s2+s12], $0x80, s22, s12, $0xb8;
	[tilespmem:$0x5100] =	vst v63  }
0x19: {  	_ = 	snop  }
0x1a: {  	[tilespmem:s14], [sflag:$0x2] =	stream.indirect.gather [hbm4b:s4+s12], $0x80, s11, s12, $0xb8;
	[tilespmem:$0x5100] =	vst v63  }
0x1b: {  	_ =	swait.ge [sflag:s15], $0x2800  }
0x1c: {  	[sflag:s15] =	ssyncset.done $0x0  }
0x1d: {  	[sflag:s15] =	ssyncadd.s32 $0xFFFFD800  }
0x1e: {  	_ =	swait.ge [sflag:s16], $0x2800  }
0x1f: {  	[sflag:s16] =	ssyncset.done $0x0  }
0x20: {  	s20 =	simm.s32 $0x0;
	[sflag:s16] =	ssyncadd.s32 $0xFFFFD800  }
0x21: {  	v7 =	vld [tilespmem:s20+$0x2900]  }
0x22: {  	v11 =	vld [tilespmem:s20+$0x2910]  }
0x23: {  	v5 =	vld [tilespmem:s20+$0x2920]  }
0x24: {  	v4 =	vld [tilespmem:s20+$0x2930]  }
0x25: {  	v3 =	vld [tilespmem:s20+$0x2940]  }
0x26: {  	v2 =	vld [tilespmem:s20+$0x2950]  }
0x27: {  	v1 =	vld [tilespmem:s20+$0x2960]  }
0x28: {  	v0 =	vld [tilespmem:s20+$0x2970]  }
0x29: {  	v12 =	vld [tilespmem:s20+$0x100]  }
0x2a: {  	v13 =	vld [tilespmem:s20+$0x110]  }
0x2b: {  	v10 =	vld [tilespmem:s20+$0x120]  }
0x2c: {  	v9 =	vld [tilespmem:s20+$0x130]  }
0x2d: {  	v8 =	vld [tilespmem:s20+$0x140]  }
0x2e: {  	v6 =	vld [tilespmem:s20+$0x150];
	v12 =	vadd.f32 v7, v12  }
0x2f: {  	s21 =	simm.s32 $0x200;
	v11 =	vadd.f32 v11, v13;
	v7 =	vld [tilespmem:s20+$0x160]  }
.LBB2_3:
0x30: {  	s22 =	sshra.s32 s21, $0x2;
	p0 =	sne.s32 s21, $0x9E00;
	[tilespmem:s20+$0x100] =	vst v12;
	v5 =	vadd.f32 v5, v10;
	v10 =	vld [tilespmem:s20+$0x170]  }
0x31: {  	v12 =	vld [tilespmem:s22+$0x2900];
	[tilespmem:s20+$0x110] =	vst v11;
	v4 =	vadd.f32 v4, v9  }
0x32: {  	v11 =	vld [tilespmem:s22+$0x2910];
	[tilespmem:s20+$0x120] =	vst v5;
	v3 =	vadd.f32 v3, v8  }
0x33: {  	v5 =	vld [tilespmem:s22+$0x2920];
	[tilespmem:s20+$0x130] =	vst v4;
	v2 =	vadd.f32 v2, v6  }
0x34: {  	v4 =	vld [tilespmem:s22+$0x2930];
	[tilespmem:s20+$0x140] =	vst v3;
	v1 =	vadd.f32 v1, v7  }
0x35: {  	v3 =	vld [tilespmem:s22+$0x2940];
	[tilespmem:s20+$0x150] =	vst v2;
	v0 =	vadd.f32 v0, v10  }
0x36: {  	v2 =	vld [tilespmem:s22+$0x2950];
	[tilespmem:s20+$0x160] =	vst v1  }
0x37: {  	v1 =	vld [tilespmem:s22+$0x2960];
	[tilespmem:s20+$0x170] =	vst v0;
	s20 =	smov.u32 s22  }
0x38: {  	v0 =	vld [tilespmem:s20+$0x2970]  }
0x39: {  	v6 =	vld [tilespmem:s20+$0x100]  }
0x3a: {  	v7 =	vld [tilespmem:s20+$0x110]  }
.Ltmp0:
0x3b: {  	v10 =	vld [tilespmem:s20+$0x120];
	(pc) =	sbr.rel @p0 .LBB2_3-.Ltmp0, $4  }
0x3c: {  	v9 =	vld [tilespmem:s20+$0x130]  }
0x3d: {  	v8 =	vld [tilespmem:s20+$0x140]  }
0x3e: {  	v12 =	vadd.f32 v12, v6;
	v6 =	vld [tilespmem:s20+$0x150]  }
0x3f: {  	s21 =	sadd.s32 $0x200, s21;
	v11 =	vadd.f32 v11, v7;
	v7 =	vld [tilespmem:s20+$0x160]  }
0x40: {  	[tilespmem:s20+$0x100] =	vst v12;
	v5 =	vadd.f32 v5, v10;
	v63 =	vld [tilespmem:s20+$0x170]  }
0x41: {  	[tilespmem:s20+$0x110] =	vst v11;
	v4 =	vadd.f32 v4, v9  }
0x42: {  	[tilespmem:s20+$0x120] =	vst v5;
	v3 =	vadd.f32 v3, v8  }
0x43: {  	[tilespmem:s20+$0x130] =	vst v4;
	v2 =	vadd.f32 v2, v6  }
0x44: {  	[tilespmem:s20+$0x140] =	vst v3;
	v1 =	vadd.f32 v1, v7  }
0x45: {  	s18 =	sadd.s32 $0x1, s18;
	[tilespmem:s20+$0x150] =	vst v2;
	v0 =	vadd.f32 v0, v63  }
0x46: {  	s19 =	sshll.u32 s19, $0x4;
	p0 =	sne.s32 s18, $0x7D;
	[tilespmem:s20+$0x160] =	vst v1  }
.Ltmp1:
0x47: {  	s19 =	sadd.s32 s7, s19;
	[tilespmem:s20+$0x170] =	vst v0;
	(pc) =	sbr.rel @p0 .LBB2_2-.Ltmp1, $4  }
0x48: {  	[hbm4b:s19+s1] =	stream.linear.scatter [tilespmem:s13], [sflag:$0x3], $0x2800, $0x38;
	[tilespmem:$0x5100] =	vst v63  }
0x49: {  	_ =	swait.ge [sflag:s10], $0x2800  }
0x4a: {  	[sflag:s10] =	ssyncset.done $0x0  }
0x4b: {  	[sflag:s10] =	ssyncadd.s32 $0xFFFFD800  }
0x4c: {  	s17 =	sadd.s32 $0x1, s17  }
0x4d: {  	p0 =	sne.s32 s17, s9  }
.Ltmp2:
0x4e: {  	_ = 	snop;
	(pc) =	sbr.rel @p0 .LBB2_1-.Ltmp2, $1  }
0x4f: {  	_ =	sdelay $0x3  }
0x50: {  	_ =	sfence.sel $0x180000  }
0x51: {  	[bflag:$0x0] =	sbarrier.arrive $0xFFFF  }
0x52: {  	p0 =	sne.s32 s3, $0x0;
	_ =	strace $0x9000004D  }
0x53: {  	s0 =	sadd.s32 @!p0 $0x100000, s0;
	[bflag:$0x2] =	sbarrier.arrive $0xFFFF  }
0x54: {  	[sflag:s0] =	ssyncadd.tile.s32 @!p0 $0x1;
	_ =	shalt  }
.Lfunc_end2:
_tile_overlayer_lowered:
.L_overlay_start_2:
0x55: {  	(tag) =	ssettag $0x2  }
0x56: {  	s0 =	rddreg [dreg:$0x0];
	s2 =	stileid.u32  }
0x57: {  	s1 =	rddreg [dreg:$0x1];
	p0 =	sne.s32 s2, $0x0  }
0x58: {  	s3 =	rddreg [dreg:$0x2];
	[bflag:$0x3] =	sbarrier.arrive $0xFFFF;
	s2 =	simm.s32 @!p0 $0x1C03  }
0x59: {  	[timem:s3], [sflag:s2] =	dma.local @!p0 [hbm:s0], s1  }
0x5a: {  	s0 =	simm.s32 @!p0 $0x3  }
0x5b: {  	_ =	swait.ge @!p0 [sflag:s0], s1  }
0x5c: {  	s1 =	ssub.s32 @!p0 $0x0, s1;
	[sflag:s0] =	ssyncset.done @!p0 $0x0  }
0x5d: {  	[sflag:s0] =	ssyncadd.s32 @!p0 s1  }
0x5e: {  	[bflag:$0x3] =	sbarrier.arrive $0xFFFF  }
0x5f: {  	_ =	shalt  }

// kernel: kernel.9.cloned.1.call-start
scs
__scs_entry_jumppad:
0x0: {  	(pc) =	sbr.rel $0x88, $3  }
0x1: {  	(tag) =	ssettag $0x0;
	lr =	simm.s32 $0x1  }
0x2: {  	[smem:$0x3F8D] =	sst lr;
	_ =	strace $0xD0000000  }
0x3: {  	_ = 	snop  }
0x4: {  	_ = 	snop  }
0x5: {  	_ = 	snop  }
0x6: {  	_ = 	snop  }
0x7: {  	_ = 	snop  }
__scs_overlays_trampoline_lowered:
0x8: {  	[smem:$0x3F9C] =	sst s0  }
0x9: {  	[smem:$0x3F9D] =	sst s1  }
0xa: {  	[smem:$0x3F9E] =	sst s2  }
0xb: {  	[smem:$0x3F9F] =	sst s3  }
0xc: {  	[smem:$0x3FA0] =	sst s4  }
0xd: {  	[smem:$0x3FA1] =	sst s5  }
0xe: {  	[smem:$0x3FA2] =	sst s6  }
0xf: {  	[smem:$0x3FA3] =	sst s7  }
0x10: {  	[smem:$0x3FA4] =	sst s8  }
0x11: {  	[smem:$0x3FA5] =	sst s9;
	s0 =	simm.s32 @!p0 $0x0  }
0x12: {  	s1 =	sld [smem:$0x3F8B];
	s0 =	simm.s32 @p0 $0x1  }
0x13: {  	[smem:$0x3FA6] =	sst s0;
	s0 =	simm.s32 @!p1 $0x0  }
0x14: {  	s2 =	sld [smem:$0x3F8A];
	s0 =	simm.s32 @p1 $0x1  }
0x15: {  	[smem:$0x3FA7] =	sst s0;
	s0 =	simm.s32 @!p2 $0x0  }
0x16: {  	s3 =	sld [smem:$0x3FDB];
	s0 =	simm.s32 @p2 $0x1  }
0x17: {  	s4 =	simm.s32 $0x1BF5;
	[smem:$0x3FA9] =	sst s0  }
0x18: {  	s0 =	sld [smem:$0x3F8C];
	_ =	swait.ge [sflag:s4], $0x0  }
0x19: {  	s7 =	sld [smem:$0x3F8D]  }
0x1a: {  	s8 =	sadd.s32 $0xFFFFE003, lr  }
0x1b: {  	s9 =	sadd.s32 $0xFFFFFEF7, lr;
	s5 =	simm.s32 $0xFFFFFFFF;
	p2 =	slt.u32 s8, $0xFFFFF086  }
0x1c: {  	p1 =	slt.u32 s9, $0xF7A;
	s5 =	simm.s32 @!p2 $0x0  }
0x1d: {  	s5 =	simm.s32 @p1 $0x1;
	p0 =	seq.s32 s7, s2  }
0x1e: {  	s7 =	smul.u32 @!p0 $0xF7A, s2;
	p2 =	seq.s32 @!p0 s5, $0x0  }
0x1f: {  	s9 =	smul.u32 $0xF7A, s1;
	s8 =	simm.s32 @!p0 $0x1BF5;
	p2 =	por !p2, p0  }
0x20: {  	[sflag:s8] =	ssyncset.s32 @!p0 $0xFFFFF086;
	s6 =	sadd.s32 @!p0 s3, s7;
	s7 =	simm.s32 @!p0 $0x108  }
0x21: {  	s3 =	sadd.s32 s3, s9;
	s6 =	sadd.s32 @!p0 $0x88, s6;
	s7 =	simm.s32 @p2 $0x1082  }
0x22: {  	[simem:s7], [sflag:s8] =	dma.local @!p0 [hbm:s6], $0xF7A  }
0x23: {  	s9 =	sor.u32 $0xD0000000, s2;
	s6 =	simm.s32 $0x108;
	_ =	swait.ge @!p0 [sflag:s8], $0x0  }
0x24: {  	s3 =	sadd.s32 $0x88, s3;
	s6 =	simm.s32 @!p1 $0x1082;
	[sflag:s4] =	ssyncset.s32 $0xFFFFF086  }
0x25: {  	[simem:s6], [sflag:s4] =	dma.local [hbm:s3], $0xF7A  }
0x26: {  	[smem:$0x3F8D] =	sst s1;
	(tag) =	ssettag s2;
	_ =	strace s9  }
0x27: {  	s1 =	sld [smem:$0x3F9D]  }
0x28: {  	s2 =	sld [smem:$0x3F9E]  }
0x29: {  	s4 =	sld [smem:$0x3FA0]  }
0x2a: {  	p0 =	seq.s32 s5, $0x0;
	s5 =	sld [smem:$0x3FA1]  }
0x2b: {  	s6 =	sld [smem:$0x3FA2]  }
0x2c: {  	s7 =	sld [smem:$0x3FA3]  }
0x2d: {  	s3 =	simm.s32 $0x108;
	s8 =	sld [smem:$0x3FA4]  }
0x2e: {  	s3 =	simm.s32 @!p0 $0x1082;
	s9 =	sld [smem:$0x3FA5]  }
0x2f: {  	lr =	sadd.s32 s0, s3;
	s0 =	sld [smem:$0x3F9C]  }
0x30: {  	s3 =	sld [smem:$0x3F9F]  }
0x31: {  	[smem:$0x3FA8] =	sst s10  }
0x32: {  	s10 =	sld [smem:$0x3FA6];
	_ =	sdelay $0x3  }
0x33: {  	p0 =	seq.s32 s10, $0x1;
	s10 =	sld [smem:$0x3FA8];
	_ =	sdelay $0x3  }
0x34: {  	[smem:$0x3FA8] =	sst s10  }
0x35: {  	s10 =	sld [smem:$0x3FA7];
	_ =	sdelay $0x3  }
0x36: {  	p1 =	seq.s32 s10, $0x1;
	s10 =	sld [smem:$0x3FA8];
	_ =	sdelay $0x3  }
0x37: {  	[smem:$0x3FA8] =	sst s10  }
0x38: {  	s10 =	sld [smem:$0x3FA9]  }
0x39: {  	_ = 	snop;
	(pc) =	sbr.ind lr, $3  }
0x3a: {  	_ = 	snop  }
0x3b: {  	_ = 	snop  }
0x3c: {  	p2 =	seq.s32 s10, $0x1;
	s10 =	sld [smem:$0x3FA8]  }
0x3d: {  	_ =	shalt  }
0x3e: {  	_ =	shalt  }
0x3f: {  	_ =	shalt  }
0x40: {  	_ =	shalt  }
0x41: {  	_ =	shalt  }
0x42: {  	_ =	shalt  }
0x43: {  	_ =	shalt  }
0x44: {  	_ =	shalt  }
0x45: {  	_ =	shalt  }
0x46: {  	_ =	shalt  }
0x47: {  	_ =	shalt  }
0x48: {  	_ =	shalt  }
0x49: {  	_ =	shalt  }
0x4a: {  	_ =	shalt  }
0x4b: {  	_ =	shalt  }
0x4c: {  	_ =	shalt  }
0x4d: {  	_ =	shalt  }
0x4e: {  	_ =	shalt  }
0x4f: {  	_ =	shalt  }
0x50: {  	_ =	shalt  }
0x51: {  	_ =	shalt  }
0x52: {  	_ =	shalt  }
0x53: {  	_ =	shalt  }
0x54: {  	_ =	shalt  }
0x55: {  	_ =	shalt  }
0x56: {  	_ =	shalt  }
0x57: {  	_ =	shalt  }
0x58: {  	_ =	shalt  }
0x59: {  	_ =	shalt  }
0x5a: {  	_ =	shalt  }
0x5b: {  	_ =	shalt  }
0x5c: {  	_ =	shalt  }
0x5d: {  	_ =	shalt  }
0x5e: {  	_ =	shalt  }
0x5f: {  	_ =	shalt  }
0x60: {  	_ =	shalt  }
0x61: {  	_ =	shalt  }
0x62: {  	_ =	shalt  }
0x63: {  	_ =	shalt  }
0x64: {  	_ =	shalt  }
0x65: {  	_ =	shalt  }
0x66: {  	_ =	shalt  }
0x67: {  	_ =	shalt  }
0x68: {  	_ =	shalt  }
0x69: {  	_ =	shalt  }
0x6a: {  	_ =	shalt  }
0x6b: {  	_ =	shalt  }
0x6c: {  	_ =	shalt  }
0x6d: {  	_ =	shalt  }
0x6e: {  	_ =	shalt  }
0x6f: {  	_ =	shalt  }
0x70: {  	_ =	shalt  }
0x71: {  	_ =	shalt  }
0x72: {  	_ =	shalt  }
0x73: {  	_ =	shalt  }
0x74: {  	_ =	shalt  }
0x75: {  	_ =	shalt  }
0x76: {  	_ =	shalt  }
0x77: {  	_ =	shalt  }
0x78: {  	_ =	shalt  }
0x79: {  	_ =	shalt  }
0x7a: {  	_ =	shalt  }
0x7b: {  	_ =	shalt  }
0x7c: {  	_ =	shalt  }
0x7d: {  	_ =	shalt  }
0x7e: {  	_ =	shalt  }
0x7f: {  	_ =	shalt  }
0x80: {  	_ =	shalt  }
0x81: {  	_ =	shalt  }
0x82: {  	_ =	shalt  }
0x83: {  	_ =	shalt  }
0x84: {  	_ =	shalt  }
0x85: {  	_ =	shalt  }
0x86: {  	_ =	shalt  }
0x87: {  	_ =	shalt  }
.Lfunc_end0:
.L_simem_size_0:
called_computation_lowered:
.L_overlay_start_0:
0x88: {  	s2 =	sld [smem:$0x3FD9]  }
0x89: {  	s3 =	sld [smem:$0x3FFE];
	_ =	sdelay $0x1  }
0x8a: {  	s1 =	srdreg.scid  }
0x8b: {  	s0 =	sand.u32 $0x1, s1  }
0x8c: {  	s17 =	sshll.u32 s0, $0xA;
	s2 =	sadd.s32 s3, s2  }
0x8d: {  	s2 =	sadd.s32 s2, s17  }
0x8e: {  	[smem:$0x3FB4] =	sst s2  }
0x8f: {  	_ = 	snop  }
0x90: {  	s2 =	sld [smem:$0x3FC9];
	(tm) =	ssettm $0x1  }
0x91: {  	s18 =	sld [smem:$0x3FFB];
	_ =	sdelay $0x3  }
0x92: {  	_ =	strace s18  }
0x93: {  	s3 =	sld [smem:$0x3FFC];
	_ =	sdelay $0x3  }
0x94: {  	_ =	strace s3  }
0x95: {  	s3 =	sld [smem:$0x3FFD];
	_ =	sdelay $0x3  }
0x96: {  	_ =	strace s3  }
0x97: {  	_ =	strace $0x8FFFFFFF  }
0x98: {  	s19 =	sld [smem:$0x3FDB];
	_ =	sdelay $0x1  }
0x99: {  	s4 =	simm.s32 $_scs_section_size  }
0x9a: {  	s5 =	simm.s32 $_size__tile_overlayer_lowered;
	s6 =	simm.s32 $_tile_overlayer_lowered  }
0x9b: {  	s22 =	simm.s32 $0x1BFF;
	s21 =	sshll.u32 s6, $0x1;
	s3 =	sadd.s32 s4, s19  }
0x9c: {  	s7 =	simm.s32 $0x0;
	s20 =	sshll.u32 s5, $0x1;
	s5 =	sadd.s32 s21, s3  }
0x9d: {  	[timem:s7], [sflag:s22] =	dma.local [hbm:s5], s20  }
0x9e: {  	_ =	swait.ge [sflag:s22], s20  }
0x9f: {  	s4 =	ssub.s32 $0x0, s20;
	[sflag:s22] =	ssyncset.done $0x0  }
0xa0: {  	[sflag:s22] =	ssyncadd.s32 s4;
	_ =	sdelay $0x1  }
0xa1: {  	s23 =	simm.s32 $0x1B8B  }
0xa2: {  	_ =	swait.ge [sflag:s23], $0x1  }
0xa3: {  	[sflag:s23] =	ssyncset.done $0x0  }
0xa4: {  	s25 =	simm.s32 $0x1B8E;
	s24 =	sld [smem:$0x3FFE];
	[sflag:s23] =	ssyncadd.s32 $0xFFFFFFFF  }
0xa5: {  	s26 =	simm.s32 $execute0_lowered;
	[smem:$0x3FD2] =	sst s25  }
0xa6: {  	s5 =	sshll.u32 s26, $0x1;
	_ =	strace $0x80000046;
	[dreg:$0x1] =	wrdreg $0xFFFFFFFF  }
0xa7: {  	s28 =	simm.s32 $_size_execute0_lowered;
	s3 =	sadd.s32 s3, s5;
	[dreg:$0x0] =	wrdreg $0x0  }
0xa8: {  	s5 =	sshll.u32 s28, $0x1;
	[dreg:$0x2] =	wrdreg s3  }
0xa9: {  	[dreg:$0x3] =	wrdreg s5  }
0xaa: {  	[dreg:$0x4] =	wrdreg $0xC0  }
0xab: {  	_ =	task [dreg:s7], $0x5FFFF  }
0xac: {  	[dreg:$0x1] =	wrdreg $0xFFFFFFFF  }
0xad: {  	[dreg:$0x0] =	wrdreg $0x60  }
0xae: {  	[dreg:$0x2] =	wrdreg s24  }
0xaf: {  	[dreg:$0x3] =	wrdreg s2  }
0xb0: {  	[dreg:$0x4] =	wrdreg $0x51000  }
0xb1: {  	[dreg:$0x5] =	wrdreg $0x9  }
0xb2: {  	_ =	task.clear_ibuf [dreg:s7], $0x6FFFF;
	_ =	strace $0x90000046  }
0xb3: {  	s29 =	simm.s32 $0x9;
	_ =	strace $0x80000048  }
0xb4: {  	_ =	swait.ge [sflag:s29], $0x1  }
0xb5: {  	[sflag:s29] =	ssyncadd.s32 $0xFFFFFFFF  }
0xb6: {  	_ =	strace $0x90000048  }
0xb7: {  	_ =	sfence  }
0xb8: {  	s30 =	sld [smem:$0x0];
	_ =	sdelay $0x2  }
0xb9: {  	s31 =	sshll.u32 s1, $0xD;
	s1 =	sshrl.u32 s1, $0x2  }
0xba: {  	s3 =	sand.u32 $0x4000, s31;
	s1 =	sadd.s32 s1, s30  }
0xbb: {  	s0 =	sor.u32 s3, s0;
	s1 =	sshll.u32 s1, $0x11  }
0xbc: {  	s0 =	sor.u32 s1, s0  }
0xbd: {  	s0 =	sadd.s32 $0x8F2B, s0  }
0xbe: {  	[sflag:s0] =	ssyncadd.remote.s32 $0x1  }
0xbf: {  	_ =	sfence.sel $0xFFFF  }
0xc0: {  	[dreg:$0x0] =	wrdreg $0xFFFFFFFF;
	(pc) =	sbr.abs _section_cstart, $3  }
0xc1: {  	[dreg:$0x1] =	wrdreg $0xFFFFFFFF  }
0xc2: {  	_ =	task.clear_ibuf [dreg:s7], $0x2FFFF;
	_ =	strace $0x9FFFFFFF  }
0xc3: {  	(tm) =	ssettm $0x7FFFFFFF  }
tec
execute0_lowered:
.L_overlay_start_1:
0x0: {  	(tag) =	ssettag $0x1  }
0x1: {  	s5 =	rddreg [dreg:$0x0]  }
0x2: {  	s0 =	srdreg.scid;
	s2 =	rddreg [dreg:$0x1]  }
0x3: {  	s3 =	rddreg [dreg:$0x2];
	s6 =	sand.u32 $0x1, s0  }
0x4: {  	s1 =	rddreg [dreg:$0x3];
	s7 =	smul.u32 $0x271000, s6  }
0x5: {  	s0 =	stileid.u32;
	s8 =	smul.u32 $0x27100, s6  }
0x6: {  	s4 =	simm.s32 $0x0;
	s14 =	simm.s32 $0x80;
	s9 =	smul.u32 $0x2710, s0  }
0x7: {  	s15 =	simm.s32 $0x100;
	s16 =	simm.s32 $0x50;
	s10 =	smul.u32 $0x14000, s0  }
0x8: {  	s17 =	simm.s32 $0x2900;
	s18 =	simm.s32 $0x1;
	s21 =	smul.u32 $0x140000, s6  }
0x9: {  	s19 =	simm.s32 $0x0;
	[smem:$0x7FF] =	sst s4;
	s25 =	smul.u32 $0x50000, s0  }
0xa: {  	_ =	strace $0x80000047;
	s6 =	ssub.s32 $0x2, s6;
	s30 =	smul.u32 $0x27100, s0  }
0xb: {  	s31 =	sshll.u32 s0, $0x6;
	s26 =	sshrl.u32 s6, $0x1;
	s8 =	sadd.s32 s9, s8  }
0xc: {  	s11 =	sadd.s32 s7, s5;
	s23 =	sshrl.u32 s10, $0x3;
	s24 =	sadd.s32 s10, s21  }
0xd: {  	s28 =	ssub.s32 s6, s26;
	s29 =	sshrl.u32 s25, $0x2;
	s6 =	sor.u32 $0x1C02, s31  }
0xe: {  	s22 =	sshrl.u32 s8, $0x3;
	s8 =	sshrl.u32 s24, $0x3;
	s7 =	sadd.s32 s23, s5  }
0xf: {  	s13 =	sadd.s32 s29, s3;
	s9 =	sadd.s32 s30, s11;
	s12 =	sadd.s32 s22, s5  }
0x10: {  	s8 =	sadd.s32 s8, s5;
	s5 =	sadd.s32 $0x3600, s7;
	s9 =	sadd.s32 $0x4F9200, s9  }
0x11: {  	s7 =	sadd.s32 $0x2B600, s8;
	s8 =	smax.u32 s28, $0x1;
	s10 =	sadd.s32 $0x4E5600, s12  }
0x12: {  	s11 =	sadd.s32 $0x4EF400, s12;
	s12 =	sshrl.u32 s13, $0x3;
	s13 =	simm.s32 $0x2  }
.LBB2_1:
0x13: {  	[spmem:s12], [sflag:s6] =	dma.local [hbm:s5], $0x2800  }
0x14: {  	_ =	swait.ge [sflag:s13], $0x2800  }
0x15: {  	[sflag:s13] =	ssyncset.done $0x0  }
0x16: {  	[sflag:s13] =	ssyncadd.s32 $0xFFFFD800  }
0x17: {  	s20 =	sadd.s32 $0x0, s11;
	[bflag:$0x0] =	sbarrier.arrive $0xFFFF  }
0x18: {  	[tilespmem:s4], [sflag:$0x2] =	stream.linear.gather [hbm4b:s20+s4], $0x50, $0x38;
	[tilespmem:$0x19100] =	vst v63  }
0x19: {  	_ =	swait.ge [sflag:s13], $0x50  }
0x1a: {  	[sflag:s13] =	ssyncset.done $0x0  }
0x1b: {  	s31 =	sadd.s32 $0x0, s10;
	[sflag:s13] =	ssyncadd.s32 $0xFFFFFFB0  }
0x1c: {  	[tilespmem:s14], [sflag:$0x2] =	stream.linear.gather [hbm4b:s31+s4], $0x50, $0x38;
	[tilespmem:$0x19100] =	vst v63  }
0x1d: {  	_ =	swait.ge [sflag:s13], $0x50  }
0x1e: {  	[sflag:s13] =	ssyncset.done $0x0  }
0x1f: {  	[sflag:s13] =	ssyncadd.s32 $0xFFFFFFB0  }
0x20: {  	[tilespmem:s15], [sflag:$0x2] =	stream.linear.gather [hbm4b:s9+s4], $0x2800, $0x38;
	[tilespmem:$0x19100] =	vst v63  }
0x21: {  	_ =	swait.ge [sflag:s13], $0x2800  }
0x22: {  	[sflag:s13] =	ssyncset.done $0x0  }
0x23: {  	[sflag:s13] =	ssyncadd.s32 $0xFFFFD800  }
0x24: {  	[tilespmem:s17], [sflag:$0x1] =	stream.indirect.gather [hbm4b:s2+s16], $0x80, s4, s16, $0xb8;
	[tilespmem:$0x19100] =	vst v63  }
0x25: {  	_ =	swait.ge [sflag:s18], $0x2800  }
0x26: {  	[sflag:s18] =	ssyncset.done $0x0  }
0x27: {  	[sflag:s18] =	ssyncadd.s32 $0xFFFFD800  }
0x28: {  	[spmem:s3] =	stream.indirect.scatter.add.f32 [tilespmem:s15], [sflag:$0x2], $0x80, s14, s16, $0xb8;
	[tilespmem:$0x19100] =	vst v63  }
0x29: {  	_ =	swait.ge [sflag:s13], $0x2800  }
0x2a: {  	[sflag:s13] =	ssyncset.done $0x0  }
0x2b: {  	[sflag:s13] =	ssyncadd.s32 $0xFFFFD800  }
0x2c: {  	[spmem:s3] =	stream.indirect.scatter.add.f32 [tilespmem:s17], [sflag:$0x2], $0x80, s14, s16, $0xb8;
	[tilespmem:$0x19100] =	vst v63  }
0x2d: {  	s21 =	simm.s32 $0xA;
	_ =	swait.ge [sflag:s13], $0x2800  }
0x2e: {  	s22 =	simm.s32 $0x14;
	s20 =	sadd.s32 $0x500, s9;
	[sflag:s13] =	ssyncset.done $0x0  }
.LBB2_2:
0x2f: {  	s23 =	sadd.s32 s21, s11  }
0x30: {  	[sflag:s13] =	ssyncadd.s32 $0xFFFFD800;
	s24 =	smov.u32 s22;
	s25 =	sadd.s32 $0xA, s22  }
0x31: {  	[tilespmem:s4], [sflag:$0x2] =	stream.linear.gather [hbm4b:s23+s4], $0x50, $0x38;
	[tilespmem:$0x19100] =	vst v63  }
0x32: {  	p0 =	sne.s32 s22, $0x4D8;
	_ =	swait.ge [sflag:s13], $0x50  }
0x33: {  	[sflag:s13] =	ssyncset.done $0x0  }
0x34: {  	s22 =	sadd.s32 s21, s10;
	s21 =	smov.u32 s24;
	[sflag:s13] =	ssyncadd.s32 $0xFFFFFFB0  }
0x35: {  	[tilespmem:s14], [sflag:$0x2] =	stream.linear.gather [hbm4b:s22+s4], $0x50, $0x38;
	[tilespmem:$0x19100] =	vst v63  }
0x36: {  	_ =	swait.ge [sflag:s13], $0x50  }
0x37: {  	[sflag:s13] =	ssyncset.done $0x0  }
0x38: {  	[sflag:s13] =	ssyncadd.s32 $0xFFFFFFB0  }
0x39: {  	[tilespmem:s15], [sflag:$0x2] =	stream.linear.gather [hbm4b:s20+s4], $0x2800, $0x38;
	[tilespmem:$0x19100] =	vst v63  }
0x3a: {  	_ =	swait.ge [sflag:s13], $0x2800  }
0x3b: {  	[sflag:s13] =	ssyncset.done $0x0  }
0x3c: {  	[sflag:s13] =	ssyncadd.s32 $0xFFFFD800  }
0x3d: {  	[tilespmem:s17], [sflag:$0x1] =	stream.indirect.gather [hbm4b:s2+s16], $0x80, s4, s16, $0xb8;
	[tilespmem:$0x19100] =	vst v63  }
0x3e: {  	_ =	swait.ge [sflag:s18], $0x2800  }
0x3f: {  	[sflag:s18] =	ssyncset.done $0x0  }
0x40: {  	[sflag:s18] =	ssyncadd.s32 $0xFFFFD800  }
0x41: {  	[spmem:s3] =	stream.indirect.scatter.add.f32 [tilespmem:s15], [sflag:$0x2], $0x80, s14, s16, $0xb8;
	[tilespmem:$0x19100] =	vst v63  }
0x42: {  	_ =	swait.ge [sflag:s13], $0x2800  }
.Ltmp0:
0x43: {  	[sflag:s13] =	ssyncset.done $0x0;
	(pc) =	sbr.rel @p0 .LBB2_2-.Ltmp0, $4  }
0x44: {  	[sflag:s13] =	ssyncadd.s32 $0xFFFFD800  }
0x45: {  	[spmem:s3] =	stream.indirect.scatter.add.f32 [tilespmem:s17], [sflag:$0x2], $0x80, s14, s16, $0xb8;
	[tilespmem:$0x19100] =	vst v63  }
0x46: {  	_ =	swait.ge [sflag:s13], $0x2800  }
0x47: {  	s22 =	smov.u32 s25;
	s20 =	sadd.s32 $0x500, s20;
	[sflag:s13] =	ssyncset.done $0x0  }
0x48: {  	s22 =	sadd.s32 s21, s11;
	[sflag:s13] =	ssyncadd.s32 $0xFFFFD800  }
0x49: {  	[tilespmem:s4], [sflag:$0x2] =	stream.linear.gather [hbm4b:s22+s4], $0x50, $0x38;
	[tilespmem:$0x19100] =	vst v63  }
0x4a: {  	_ =	swait.ge [sflag:s13], $0x50  }
0x4b: {  	[sflag:s13] =	ssyncset.done $0x0  }
0x4c: {  	s31 =	sadd.s32 s21, s10;
	[sflag:s13] =	ssyncadd.s32 $0xFFFFFFB0  }
0x4d: {  	[tilespmem:s14], [sflag:$0x2] =	stream.linear.gather [hbm4b:s31+s4], $0x50, $0x38;
	[tilespmem:$0x19100] =	vst v63  }
0x4e: {  	_ =	swait.ge [sflag:s13], $0x50  }
0x4f: {  	[sflag:s13] =	ssyncset.done $0x0  }
0x50: {  	[sflag:s13] =	ssyncadd.s32 $0xFFFFFFB0  }
0x51: {  	[tilespmem:s15], [sflag:$0x2] =	stream.linear.gather [hbm4b:s20+s4], $0x2800, $0x38;
	[tilespmem:$0x19100] =	vst v63  }
0x52: {  	_ =	swait.ge [sflag:s13], $0x2800  }
0x53: {  	[sflag:s13] =	ssyncset.done $0x0  }
0x54: {  	[sflag:s13] =	ssyncadd.s32 $0xFFFFD800  }
0x55: {  	[tilespmem:s17], [sflag:$0x1] =	stream.indirect.gather [hbm4b:s2+s16], $0x80, s4, s16, $0xb8;
	[tilespmem:$0x19100] =	vst v63  }
0x56: {  	_ =	swait.ge [sflag:s18], $0x2800  }
0x57: {  	[sflag:s18] =	ssyncset.done $0x0  }
0x58: {  	[sflag:s18] =	ssyncadd.s32 $0xFFFFD800  }
0x59: {  	[spmem:s3] =	stream.indirect.scatter.add.f32 [tilespmem:s15], [sflag:$0x2], $0x80, s14, s16, $0xb8;
	[tilespmem:$0x19100] =	vst v63  }
0x5a: {  	_ =	swait.ge [sflag:s13], $0x2800  }
0x5b: {  	[sflag:s13] =	ssyncset.done $0x0  }
0x5c: {  	[sflag:s13] =	ssyncadd.s32 $0xFFFFD800  }
0x5d: {  	[spmem:s3] =	stream.indirect.scatter.add.f32 [tilespmem:s17], [sflag:$0x2], $0x80, s14, s16, $0xb8;
	[tilespmem:$0x19100] =	vst v63  }
0x5e: {  	_ =	swait.ge [sflag:s13], $0x2800  }
0x5f: {  	s19 =	sadd.s32 $0x1, s19;
	[sflag:s13] =	ssyncset.done $0x0  }
0x60: {  	p0 =	sne.s32 s19, s8;
	[sflag:s13] =	ssyncadd.s32 $0xFFFFD800  }
.Ltmp1:
0x61: {  	[bflag:$0x0] =	sbarrier.arrive $0xFFFF;
	(pc) =	sbr.rel @p0 .LBB2_1-.Ltmp1, $4  }
0x62: {  	[hbm:s7], [sflag:s6] =	dma.local [spmem:s12], $0x2800  }
0x63: {  	_ =	swait.ge [sflag:s13], $0x2800  }
0x64: {  	[sflag:s13] =	ssyncset.done $0x0  }
0x65: {  	[sflag:s13] =	ssyncadd.s32 $0xFFFFD800  }
0x66: {  	_ =	sfence.sel $0x180000  }
0x67: {  	[bflag:$0x0] =	sbarrier.arrive $0xFFFF  }
0x68: {  	p0 =	sne.s32 s0, $0x0;
	_ =	strace $0x90000047  }
0x69: {  	s0 =	sadd.s32 @!p0 $0x100000, s1;
	[bflag:$0x2] =	sbarrier.arrive $0xFFFF  }
0x6a: {  	[sflag:s0] =	ssyncadd.tile.s32 @!p0 $0x1;
	_ =	shalt  }
.Lfunc_end2:
_tile_overlayer_lowered:
.L_overlay_start_2:
0x6b: {  	(tag) =	ssettag $0x2  }
0x6c: {  	s0 =	rddreg [dreg:$0x0];
	s2 =	stileid.u32  }
0x6d: {  	s1 =	rddreg [dreg:$0x1];
	p0 =	sne.s32 s2, $0x0  }
0x6e: {  	s3 =	rddreg [dreg:$0x2];
	[bflag:$0x3] =	sbarrier.arrive $0xFFFF;
	s2 =	simm.s32 @!p0 $0x1C02  }
0x6f: {  	[timem:s3], [sflag:s2] =	dma.local @!p0 [hbm:s0], s1  }
0x70: {  	s0 =	simm.s32 @!p0 $0x2  }
0x71: {  	_ =	swait.ge @!p0 [sflag:s0], s1  }
0x72: {  	s1 =	ssub.s32 @!p0 $0x0, s1;
	[sflag:s0] =	ssyncset.done @!p0 $0x0  }
0x73: {  	[sflag:s0] =	ssyncadd.s32 @!p0 s1  }
0x74: {  	[bflag:$0x3] =	sbarrier.arrive $0xFFFF  }
0x75: {  	_ =	shalt  }

</sc_bundles>
